<compile_context>
chip_gen: v7x
topology: tpu7x:2x2x1
jax: 0.10.2.dev20260603
libtpu: 0.0.44.dev20260713+nightly
codegen_flags: <defaults>
</compile_context>

<pallas_src>
import functools

import jax
import jax.numpy as jnp
from jax import lax
from jax.experimental import pallas as pl
from jax.experimental.pallas import tpu as pltpu
from jax.experimental.pallas import tpu_sc as plsc

T = 32768
D = 768
E = 8
K = 2

CHUNKS = (24576, 8192)

NC = 2
NS = 16
L = 16
NW = NC * NS

BLK = 2048
GPB = BLK // 128


def _logits_body(x_ref, w_ref, b_ref, out_ref):
    lgt = lax.dot_general(
        w_ref[...], x_ref[...],
        (((1,), (1,)), ((), ())),
        preferred_element_type=jnp.float32,
    ) + b_ref[...]
    for g in range(GPB):
        out_ref[pl.ds(g * E, E), :] = lgt[:, g * 128:(g + 1) * 128]


def _make_logits_call(tokens, off_blocks):
    return pl.pallas_call(
        _logits_body,
        grid=(tokens // BLK,),
        in_specs=[
            pl.BlockSpec((BLK, D), lambda i: (i + off_blocks, 0)),
            pl.BlockSpec((E, D), lambda i: (0, 0)),
            pl.BlockSpec((E, 1), lambda i: (0, 0)),
        ],
        out_specs=pl.BlockSpec((GPB * E, 128), lambda i: (i, 0)),
        out_shape=jax.ShapeDtypeStruct((tokens // 16, 128), jnp.float32),
        compiler_params=pltpu.CompilerParams(
            dimension_semantics=("arbitrary",),
        ),
    )


def _make_route(tokens):
    tpw = tokens // NW
    steps = tpw // L

    @functools.partial(
        pl.kernel,
        out_type=(
            jax.ShapeDtypeStruct((K * tokens,), jnp.int32),
            jax.ShapeDtypeStruct((K * tokens,), jnp.float32),
        ),
        mesh=plsc.VectorSubcoreMesh(core_axis_name="c", subcore_axis_name="s"),
        compiler_params=pltpu.CompilerParams(needs_layout_passes=False),
        scratch_types=[
            pltpu.VMEM((tpw // 128 * E, 128), jnp.float32),
            pltpu.VMEM((K * tpw,), jnp.int32),
            pltpu.VMEM((K * tpw,), jnp.float32),
        ],
    )
    def _route(lg_hbm, idx_hbm, gate_hbm, lg_v, idx_v, gate_v):
        wid = lax.axis_index("s") * NC + lax.axis_index("c")
        rows = tpw // 128 * E
        pltpu.sync_copy(lg_hbm.at[pl.ds(wid * rows, rows), :], lg_v)

        def body(i, carry):
            gl = i >> 3
            c0 = (i & 7) * L
            r0 = gl * E
            ls = [lg_v[r0 + e, pl.ds(c0, L)] for e in range(E)]
            v1 = ls[0]
            i1 = jnp.zeros((L,), jnp.int32)
            v2 = jnp.full((L,), -jnp.inf, jnp.float32)
            i2 = jnp.zeros((L,), jnp.int32)
            for e in range(1, E):
                le = ls[e]
                ee = jnp.full((L,), e, jnp.int32)
                gt1 = le > v1
                gt2 = le > v2
                v2 = jnp.where(gt1, v1, jnp.where(gt2, le, v2))
                i2 = jnp.where(gt1, i1, jnp.where(gt2, ee, i2))
                v1 = jnp.where(gt1, le, v1)
                i1 = jnp.where(gt1, ee, i1)
            s = jnp.exp(ls[0] - v1)
            for e in range(1, E):
                s = s + jnp.exp(ls[e] - v1)
            o = gl * (K * 128) + c0
            idx_v[pl.ds(o, L)] = i1
            idx_v[pl.ds(o + 128, L)] = i2
            gate_v[pl.ds(o, L)] = 1.0 / s
            gate_v[pl.ds(o + 128, L)] = jnp.exp(v2 - v1) / s
            return carry

        lax.fori_loop(0, steps, body, 0)
        pltpu.sync_copy(idx_v, idx_hbm.at[pl.ds(wid * K * tpw, K * tpw)])
        pltpu.sync_copy(gate_v, gate_hbm.at[pl.ds(wid * K * tpw, K * tpw)])

    return _route


_stages = []
_off = 0
for _tok in CHUNKS:
    _stages.append((_make_logits_call(_tok, _off // BLK), _make_route(_tok)))
    _off += _tok


def kernel(x, W, b):
    bcol = b.reshape(E, 1)
    idx_parts, gate_parts = [], []
    for lg_call, route_call in _stages:
        lgt = lg_call(x, W, bcol)
        idx_f, gate_f = route_call(lgt)
        idx_parts.append(idx_f)
        gate_parts.append(gate_f)
    idx_flat = jnp.concatenate(idx_parts)
    gate_flat = jnp.concatenate(gate_parts)
    expert_idx = idx_flat.reshape(T // 128, K, 128).transpose(0, 2, 1).reshape(T, K)
    gate_vals = gate_flat.reshape(T // 128, K, 128).transpose(0, 2, 1).reshape(T, K)
    return expert_idx, gate_vals

# --- scband reference (transcript-rebuilt; emitter-appended) ---
"""Pipeline reference for scband-router-46119358824993 (READ-ONLY COPY).

The authoritative reference and input builder live on the scoring server;
editing this copy changes nothing except your own understanding.
"""

import jax, jax.numpy as jnp
import numpy as np

K = 2

def setup_inputs(seed: int = 0) -> dict:
    key = jax.random.key(seed)
    k1, k2, k3 = jax.random.split(key, 3)
    x = jax.random.normal(k1, (32768, 768), dtype=jnp.float32)
    W = jax.random.normal(k2, (8, 768), dtype=jnp.float32) * 0.02
    b = jax.random.normal(k3, (8,), dtype=jnp.float32) * 0.02
    return {"x": x, "W": W, "b": b}

def reference(x, W, b):
    # nn.Linear: logits = x @ W.T + b
    router_logits = x @ W.T + b
    p = jax.nn.softmax(router_logits, axis=-1)
    gate_vals, expert_idx = jax.lax.top_k(p, K)
    return (expert_idx, gate_vals)

if __name__ == "__main__":
    import jax
    _d = setup_inputs()
    print(jax.jit(kernel)(*tuple(_d.values())))

</pallas_src>

<mosaic_0001>
#map = affine_map<(d0, d1) -> (0, 0)>
#map1 = affine_map<(d0, d1) -> (0)>
module attributes {stable_mosaic.version = 14 : i64} {
  func.func @_route(%arg0: i32, %arg1: i32, %arg2: memref<512x128xf32, #tpu.memory_space<hbm>>, %arg3: memref<16384xi32, #tpu.memory_space<hbm>>, %arg4: memref<16384xf32, #tpu.memory_space<hbm>>, %arg5: memref<16x128xf32, #tpu.memory_space<vmem>>, %arg6: memref<512xi32, #tpu.memory_space<vmem>>, %arg7: memref<512xf32, #tpu.memory_space<vmem>>) attributes {dimension_semantics = [#tpu.dimension_semantics<core_parallel>, #tpu.dimension_semantics<subcore_parallel>], iteration_bounds = array<i64: 2, 16>, scalar_prefetch = 0 : i64, scratch_operands = 3 : i64, tpu.core_type = #tpu.core_type<sc_vector_subcore>, window_params = [{transform_indices = #map}, {transform_indices = #map1}, {transform_indices = #map1}]} {
    %mul3A = arith.constant 2 : i32
    %mul3A_0 = arith.muli %arg1, %mul3A : i32
    %add3A = arith.addi %mul3A_0, %arg0 : i32
    %mul3A_1 = arith.constant 16 : i32
    %mul3A_2 = arith.muli %add3A, %mul3A_1 : i32
    "tpu.region"() ({
      %run_scoped3A = tpu.sem_alloc : memref<!tpu.dma_semaphore, #tpu.memory_space<semaphore_mem>>
      %dma_start3A = arith.constant 0 : i32
      %dma_start3A_16 = tpu.memref_slice %arg2[%mul3A_2, %dma_start3A] : memref<512x128xf32, #tpu.memory_space<hbm>> -> memref<16x128xf32, #tpu.memory_space<hbm>>
      %dma_start3A_17 = arith.constant 0 : i32
      %dma_start3A_18 = tpu.memref_slice %arg2[%mul3A_2, %dma_start3A_17] : memref<512x128xf32, #tpu.memory_space<hbm>> -> memref<16x128xf32, #tpu.memory_space<hbm>>
      tpu.enqueue_dma source(%dma_start3A_18 : memref<16x128xf32, #tpu.memory_space<hbm>>) target(%arg5 : memref<16x128xf32, #tpu.memory_space<vmem>>) target_semaphore(%run_scoped3A : memref<!tpu.dma_semaphore, #tpu.memory_space<semaphore_mem>>)
      %dma_wait3A = arith.constant 0 : i32
      %dma_wait3A_19 = tpu.memref_slice %arg2[%mul3A_2, %dma_wait3A] : memref<512x128xf32, #tpu.memory_space<hbm>> -> memref<16x128xf32, #tpu.memory_space<hbm>>
      %dma_wait3A_20 = arith.constant 0 : i32
      %dma_wait3A_21 = tpu.memref_slice %arg2[%mul3A_2, %dma_wait3A_20] : memref<512x128xf32, #tpu.memory_space<hbm>> -> memref<16x128xf32, #tpu.memory_space<hbm>>
      tpu.wait_dma2 semaphore(%run_scoped3A : memref<!tpu.dma_semaphore, #tpu.memory_space<semaphore_mem>>) src(%dma_wait3A_21 : memref<16x128xf32, #tpu.memory_space<hbm>>) dst(%arg5 : memref<16x128xf32, #tpu.memory_space<vmem>>)
      tpu.yield
    }) : () -> ()
    %scan3A = arith.constant 0 : i32
    %scan3A_3 = arith.constant 0 : i32
    %scan3A_4 = arith.constant 16 : i32
    %scan3A_5 = arith.addi %scan3A_3, %scan3A_4 : i32
    %scan3A_6 = arith.constant 1 : i32
    scf.for %scan3A_16 = %scan3A_3 to %scan3A_5 step %scan3A_6  : i32 {
      %shift_right_arithmetic3A = arith.constant 3 : i32
      %shift_right_arithmetic3A_17 = arith.shrsi %scan3A_16, %shift_right_arithmetic3A : i32
      %and3A = arith.constant 7 : i32
      %and3A_18 = arith.andi %scan3A_16, %and3A : i32
      %mul3A_19 = arith.constant 16 : i32
      %mul3A_20 = arith.muli %and3A_18, %mul3A_19 : i32
      %mul3A_21 = arith.constant 8 : i32
      %mul3A_22 = arith.muli %shift_right_arithmetic3A_17, %mul3A_21 : i32
      %add3A_23 = arith.constant 0 : i32
      %add3A_24 = arith.addi %mul3A_22, %add3A_23 : i32
      %get3A = arith.index_cast %add3A_24 : i32 to index
      %get3A_25 = arith.index_cast %mul3A_20 : i32 to index
      %get3A_26 = tpu.vector_load %arg5[%get3A, %get3A_25] {strides = array<i32>} : memref<16x128xf32, #tpu.memory_space<vmem>>, vector<16xf32>,
      %add3A_27 = arith.constant 1 : i32
      %add3A_28 = arith.addi %mul3A_22, %add3A_27 : i32
      %get3A_29 = arith.index_cast %add3A_28 : i32 to index
      %get3A_30 = arith.index_cast %mul3A_20 : i32 to index
      %get3A_31 = tpu.vector_load %arg5[%get3A_29, %get3A_30] {strides = array<i32>} : memref<16x128xf32, #tpu.memory_space<vmem>>, vector<16xf32>,
      %add3A_32 = arith.constant 2 : i32
      %add3A_33 = arith.addi %mul3A_22, %add3A_32 : i32
      %get3A_34 = arith.index_cast %add3A_33 : i32 to index
      %get3A_35 = arith.index_cast %mul3A_20 : i32 to index
      %get3A_36 = tpu.vector_load %arg5[%get3A_34, %get3A_35] {strides = array<i32>} : memref<16x128xf32, #tpu.memory_space<vmem>>, vector<16xf32>,
      %add3A_37 = arith.constant 3 : i32
      %add3A_38 = arith.addi %mul3A_22, %add3A_37 : i32
      %get3A_39 = arith.index_cast %add3A_38 : i32 to index
      %get3A_40 = arith.index_cast %mul3A_20 : i32 to index
      %get3A_41 = tpu.vector_load %arg5[%get3A_39, %get3A_40] {strides = array<i32>} : memref<16x128xf32, #tpu.memory_space<vmem>>, vector<16xf32>,
      %add3A_42 = arith.constant 4 : i32
      %add3A_43 = arith.addi %mul3A_22, %add3A_42 : i32
      %get3A_44 = arith.index_cast %add3A_43 : i32 to index
      %get3A_45 = arith.index_cast %mul3A_20 : i32 to index
      %get3A_46 = tpu.vector_load %arg5[%get3A_44, %get3A_45] {strides = array<i32>} : memref<16x128xf32, #tpu.memory_space<vmem>>, vector<16xf32>,
      %add3A_47 = arith.constant 5 : i32
      %add3A_48 = arith.addi %mul3A_22, %add3A_47 : i32
      %get3A_49 = arith.index_cast %add3A_48 : i32 to index
      %get3A_50 = arith.index_cast %mul3A_20 : i32 to index
      %get3A_51 = tpu.vector_load %arg5[%get3A_49, %get3A_50] {strides = array<i32>} : memref<16x128xf32, #tpu.memory_space<vmem>>, vector<16xf32>,
      %add3A_52 = arith.constant 6 : i32
      %add3A_53 = arith.addi %mul3A_22, %add3A_52 : i32
      %get3A_54 = arith.index_cast %add3A_53 : i32 to index
      %get3A_55 = arith.index_cast %mul3A_20 : i32 to index
      %get3A_56 = tpu.vector_load %arg5[%get3A_54, %get3A_55] {strides = array<i32>} : memref<16x128xf32, #tpu.memory_space<vmem>>, vector<16xf32>,
      %add3A_57 = arith.constant 7 : i32
      %add3A_58 = arith.addi %mul3A_22, %add3A_57 : i32
      %get3A_59 = arith.index_cast %add3A_58 : i32 to index
      %get3A_60 = arith.index_cast %mul3A_20 : i32 to index
      %get3A_61 = tpu.vector_load %arg5[%get3A_59, %get3A_60] {strides = array<i32>} : memref<16x128xf32, #tpu.memory_space<vmem>>, vector<16xf32>,
      %broadcast_in_dim3A = arith.constant 0 : i32
      %broadcast_in_dim3A_62 = vector.broadcast %broadcast_in_dim3A : i32 to vector<16xi32>
      %broadcast_in_dim3A_63 = arith.constant 0xFF800000 : f32
      %broadcast_in_dim3A_64 = vector.broadcast %broadcast_in_dim3A_63 : f32 to vector<16xf32>
      %broadcast_in_dim3A_65 = arith.constant 0 : i32
      %broadcast_in_dim3A_66 = vector.broadcast %broadcast_in_dim3A_65 : i32 to vector<16xi32>
      %broadcast_in_dim3A_67 = arith.constant 1 : i32
      %broadcast_in_dim3A_68 = vector.broadcast %broadcast_in_dim3A_67 : i32 to vector<16xi32>
      %gt3A = arith.cmpf ogt, %get3A_31, %get3A_26 : vector<16xf32>
      %gt3A_69 = arith.cmpf ogt, %get3A_31, %broadcast_in_dim3A_64 : vector<16xf32>
      %select_n3A = arith.select %gt3A_69, %get3A_31, %broadcast_in_dim3A_64 : vector<16xi1>, vector<16xf32>
      %select_n3A_70 = arith.select %gt3A, %get3A_26, %select_n3A : vector<16xi1>, vector<16xf32>
      %select_n3A_71 = arith.select %gt3A_69, %broadcast_in_dim3A_68, %broadcast_in_dim3A_66 : vector<16xi1>, vector<16xi32>
      %select_n3A_72 = arith.select %gt3A, %broadcast_in_dim3A_62, %select_n3A_71 : vector<16xi1>, vector<16xi32>
      %select_n3A_73 = arith.select %gt3A, %get3A_31, %get3A_26 : vector<16xi1>, vector<16xf32>
      %select_n3A_74 = arith.select %gt3A, %broadcast_in_dim3A_68, %broadcast_in_dim3A_62 : vector<16xi1>, vector<16xi32>
      %broadcast_in_dim3A_75 = arith.constant 2 : i32
      %broadcast_in_dim3A_76 = vector.broadcast %broadcast_in_dim3A_75 : i32 to vector<16xi32>
      %gt3A_77 = arith.cmpf ogt, %get3A_36, %select_n3A_73 : vector<16xf32>
      %gt3A_78 = arith.cmpf ogt, %get3A_36, %select_n3A_70 : vector<16xf32>
      %select_n3A_79 = arith.select %gt3A_78, %get3A_36, %select_n3A_70 : vector<16xi1>, vector<16xf32>
      %select_n3A_80 = arith.select %gt3A_77, %select_n3A_73, %select_n3A_79 : vector<16xi1>, vector<16xf32>
      %select_n3A_81 = arith.select %gt3A_78, %broadcast_in_dim3A_76, %select_n3A_72 : vector<16xi1>, vector<16xi32>
      %select_n3A_82 = arith.select %gt3A_77, %select_n3A_74, %select_n3A_81 : vector<16xi1>, vector<16xi32>
      %select_n3A_83 = arith.select %gt3A_77, %get3A_36, %select_n3A_73 : vector<16xi1>, vector<16xf32>
      %select_n3A_84 = arith.select %gt3A_77, %broadcast_in_dim3A_76, %select_n3A_74 : vector<16xi1>, vector<16xi32>
      %broadcast_in_dim3A_85 = arith.constant 3 : i32
      %broadcast_in_dim3A_86 = vector.broadcast %broadcast_in_dim3A_85 : i32 to vector<16xi32>
      %gt3A_87 = arith.cmpf ogt, %get3A_41, %select_n3A_83 : vector<16xf32>
      %gt3A_88 = arith.cmpf ogt, %get3A_41, %select_n3A_80 : vector<16xf32>
      %select_n3A_89 = arith.select %gt3A_88, %get3A_41, %select_n3A_80 : vector<16xi1>, vector<16xf32>
      %select_n3A_90 = arith.select %gt3A_87, %select_n3A_83, %select_n3A_89 : vector<16xi1>, vector<16xf32>
      %select_n3A_91 = arith.select %gt3A_88, %broadcast_in_dim3A_86, %select_n3A_82 : vector<16xi1>, vector<16xi32>
      %select_n3A_92 = arith.select %gt3A_87, %select_n3A_84, %select_n3A_91 : vector<16xi1>, vector<16xi32>
      %select_n3A_93 = arith.select %gt3A_87, %get3A_41, %select_n3A_83 : vector<16xi1>, vector<16xf32>
      %select_n3A_94 = arith.select %gt3A_87, %broadcast_in_dim3A_86, %select_n3A_84 : vector<16xi1>, vector<16xi32>
      %broadcast_in_dim3A_95 = arith.constant 4 : i32
      %broadcast_in_dim3A_96 = vector.broadcast %broadcast_in_dim3A_95 : i32 to vector<16xi32>
      %gt3A_97 = arith.cmpf ogt, %get3A_46, %select_n3A_93 : vector<16xf32>
      %gt3A_98 = arith.cmpf ogt, %get3A_46, %select_n3A_90 : vector<16xf32>
      %select_n3A_99 = arith.select %gt3A_98, %get3A_46, %select_n3A_90 : vector<16xi1>, vector<16xf32>
      %select_n3A_100 = arith.select %gt3A_97, %select_n3A_93, %select_n3A_99 : vector<16xi1>, vector<16xf32>
      %select_n3A_101 = arith.select %gt3A_98, %broadcast_in_dim3A_96, %select_n3A_92 : vector<16xi1>, vector<16xi32>
      %select_n3A_102 = arith.select %gt3A_97, %select_n3A_94, %select_n3A_101 : vector<16xi1>, vector<16xi32>
      %select_n3A_103 = arith.select %gt3A_97, %get3A_46, %select_n3A_93 : vector<16xi1>, vector<16xf32>
      %select_n3A_104 = arith.select %gt3A_97, %broadcast_in_dim3A_96, %select_n3A_94 : vector<16xi1>, vector<16xi32>
      %broadcast_in_dim3A_105 = arith.constant 5 : i32
      %broadcast_in_dim3A_106 = vector.broadcast %broadcast_in_dim3A_105 : i32 to vector<16xi32>
      %gt3A_107 = arith.cmpf ogt, %get3A_51, %select_n3A_103 : vector<16xf32>
      %gt3A_108 = arith.cmpf ogt, %get3A_51, %select_n3A_100 : vector<16xf32>
      %select_n3A_109 = arith.select %gt3A_108, %get3A_51, %select_n3A_100 : vector<16xi1>, vector<16xf32>
      %select_n3A_110 = arith.select %gt3A_107, %select_n3A_103, %select_n3A_109 : vector<16xi1>, vector<16xf32>
      %select_n3A_111 = arith.select %gt3A_108, %broadcast_in_dim3A_106, %select_n3A_102 : vector<16xi1>, vector<16xi32>
      %select_n3A_112 = arith.select %gt3A_107, %select_n3A_104, %select_n3A_111 : vector<16xi1>, vector<16xi32>
      %select_n3A_113 = arith.select %gt3A_107, %get3A_51, %select_n3A_103 : vector<16xi1>, vector<16xf32>
      %select_n3A_114 = arith.select %gt3A_107, %broadcast_in_dim3A_106, %select_n3A_104 : vector<16xi1>, vector<16xi32>
      %broadcast_in_dim3A_115 = arith.constant 6 : i32
      %broadcast_in_dim3A_116 = vector.broadcast %broadcast_in_dim3A_115 : i32 to vector<16xi32>
      %gt3A_117 = arith.cmpf ogt, %get3A_56, %select_n3A_113 : vector<16xf32>
      %gt3A_118 = arith.cmpf ogt, %get3A_56, %select_n3A_110 : vector<16xf32>
      %select_n3A_119 = arith.select %gt3A_118, %get3A_56, %select_n3A_110 : vector<16xi1>, vector<16xf32>
      %select_n3A_120 = arith.select %gt3A_117, %select_n3A_113, %select_n3A_119 : vector<16xi1>, vector<16xf32>
      %select_n3A_121 = arith.select %gt3A_118, %broadcast_in_dim3A_116, %select_n3A_112 : vector<16xi1>, vector<16xi32>
      %select_n3A_122 = arith.select %gt3A_117, %select_n3A_114, %select_n3A_121 : vector<16xi1>, vector<16xi32>
      %select_n3A_123 = arith.select %gt3A_117, %get3A_56, %select_n3A_113 : vector<16xi1>, vector<16xf32>
      %select_n3A_124 = arith.select %gt3A_117, %broadcast_in_dim3A_116, %select_n3A_114 : vector<16xi1>, vector<16xi32>
      %broadcast_in_dim3A_125 = arith.constant 7 : i32
      %broadcast_in_dim3A_126 = vector.broadcast %broadcast_in_dim3A_125 : i32 to vector<16xi32>
      %gt3A_127 = arith.cmpf ogt, %get3A_61, %select_n3A_123 : vector<16xf32>
      %gt3A_128 = arith.cmpf ogt, %get3A_61, %select_n3A_120 : vector<16xf32>
      %select_n3A_129 = arith.select %gt3A_128, %get3A_61, %select_n3A_120 : vector<16xi1>, vector<16xf32>
      %select_n3A_130 = arith.select %gt3A_127, %select_n3A_123, %select_n3A_129 : vector<16xi1>, vector<16xf32>
      %select_n3A_131 = arith.select %gt3A_128, %broadcast_in_dim3A_126, %select_n3A_122 : vector<16xi1>, vector<16xi32>
      %select_n3A_132 = arith.select %gt3A_127, %select_n3A_124, %select_n3A_131 : vector<16xi1>, vector<16xi32>
      %select_n3A_133 = arith.select %gt3A_127, %get3A_61, %select_n3A_123 : vector<16xi1>, vector<16xf32>
      %select_n3A_134 = arith.select %gt3A_127, %broadcast_in_dim3A_126, %select_n3A_124 : vector<16xi1>, vector<16xi32>
      %sub3A = arith.subf %get3A_26, %select_n3A_133 : vector<16xf32>
      %exp3A = math.exp %sub3A : vector<16xf32>
      %sub3A_135 = arith.subf %get3A_31, %select_n3A_133 : vector<16xf32>
      %exp3A_136 = math.exp %sub3A_135 : vector<16xf32>
      %add3A_137 = arith.addf %exp3A, %exp3A_136 : vector<16xf32>
      %sub3A_138 = arith.subf %get3A_36, %select_n3A_133 : vector<16xf32>
      %exp3A_139 = math.exp %sub3A_138 : vector<16xf32>
      %add3A_140 = arith.addf %add3A_137, %exp3A_139 : vector<16xf32>
      %sub3A_141 = arith.subf %get3A_41, %select_n3A_133 : vector<16xf32>
      %exp3A_142 = math.exp %sub3A_141 : vector<16xf32>
      %add3A_143 = arith.addf %add3A_140, %exp3A_142 : vector<16xf32>
      %sub3A_144 = arith.subf %get3A_46, %select_n3A_133 : vector<16xf32>
      %exp3A_145 = math.exp %sub3A_144 : vector<16xf32>
      %add3A_146 = arith.addf %add3A_143, %exp3A_145 : vector<16xf32>
      %sub3A_147 = arith.subf %get3A_51, %select_n3A_133 : vector<16xf32>
      %exp3A_148 = math.exp %sub3A_147 : vector<16xf32>
      %add3A_149 = arith.addf %add3A_146, %exp3A_148 : vector<16xf32>
      %sub3A_150 = arith.subf %get3A_56, %select_n3A_133 : vector<16xf32>
      %exp3A_151 = math.exp %sub3A_150 : vector<16xf32>
      %add3A_152 = arith.addf %add3A_149, %exp3A_151 : vector<16xf32>
      %sub3A_153 = arith.subf %get3A_61, %select_n3A_133 : vector<16xf32>
      %exp3A_154 = math.exp %sub3A_153 : vector<16xf32>
      %add3A_155 = arith.addf %add3A_152, %exp3A_154 : vector<16xf32>
      %mul3A_156 = arith.constant 256 : i32
      %mul3A_157 = arith.muli %shift_right_arithmetic3A_17, %mul3A_156 : i32
      %add3A_158 = arith.addi %mul3A_157, %mul3A_20 : i32
      %swap3A = arith.index_cast %add3A_158 : i32 to index
      %swap3A_159 = tpu.vector_load %arg6[%swap3A] {strides = array<i32>} : memref<512xi32, #tpu.memory_space<vmem>>, vector<16xi32>,
      tpu.vector_store %arg6[%swap3A], %select_n3A_134 {strides = array<i32>} : memref<512xi32, #tpu.memory_space<vmem>>, vector<16xi32>,
      %add3A_160 = arith.constant 128 : i32
      %add3A_161 = arith.addi %add3A_158, %add3A_160 : i32
      %swap3A_162 = arith.index_cast %add3A_161 : i32 to index
      %swap3A_163 = tpu.vector_load %arg6[%swap3A_162] {strides = array<i32>} : memref<512xi32, #tpu.memory_space<vmem>>, vector<16xi32>,
      tpu.vector_store %arg6[%swap3A_162], %select_n3A_132 {strides = array<i32>} : memref<512xi32, #tpu.memory_space<vmem>>, vector<16xi32>,
      %div3A = arith.constant 1.000000e+00 : f32
      %div3A_164 = vector.broadcast %div3A : f32 to vector<16xf32>
      %div3A_165 = arith.divf %div3A_164, %add3A_155 : vector<16xf32>
      %swap3A_166 = arith.index_cast %add3A_158 : i32 to index
      %swap3A_167 = tpu.vector_load %arg7[%swap3A_166] {strides = array<i32>} : memref<512xf32, #tpu.memory_space<vmem>>, vector<16xf32>,
      tpu.vector_store %arg7[%swap3A_166], %div3A_165 {strides = array<i32>} : memref<512xf32, #tpu.memory_space<vmem>>, vector<16xf32>,
      %sub3A_168 = arith.subf %select_n3A_130, %select_n3A_133 : vector<16xf32>
      %exp3A_169 = math.exp %sub3A_168 : vector<16xf32>
      %div3A_170 = arith.divf %exp3A_169, %add3A_155 : vector<16xf32>
      %add3A_171 = arith.constant 128 : i32
      %add3A_172 = arith.addi %add3A_158, %add3A_171 : i32
      %swap3A_173 = arith.index_cast %add3A_172 : i32 to index
      %swap3A_174 = tpu.vector_load %arg7[%swap3A_173] {strides = array<i32>} : memref<512xf32, #tpu.memory_space<vmem>>, vector<16xf32>,
      tpu.vector_store %arg7[%swap3A_173], %div3A_170 {strides = array<i32>} : memref<512xf32, #tpu.memory_space<vmem>>, vector<16xf32>,
    }
    %scan3A_7 = arith.constant 16 : i32
    %mul3A_8 = arith.constant 2 : i32
    %mul3A_9 = arith.muli %add3A, %mul3A_8 : i32
    %mul3A_10 = arith.constant 256 : i32
    %mul3A_11 = arith.muli %mul3A_9, %mul3A_10 : i32
    "tpu.region"() ({
      %run_scoped3A = tpu.sem_alloc : memref<!tpu.dma_semaphore, #tpu.memory_space<semaphore_mem>>
      %dma_start3A = tpu.memref_slice %arg3[%mul3A_11] : memref<16384xi32, #tpu.memory_space<hbm>> -> memref<512xi32, #tpu.memory_space<hbm>>
      %dma_start3A_16 = tpu.memref_slice %arg3[%mul3A_11] : memref<16384xi32, #tpu.memory_space<hbm>> -> memref<512xi32, #tpu.memory_space<hbm>>
      tpu.enqueue_dma source(%arg6 : memref<512xi32, #tpu.memory_space<vmem>>) target(%dma_start3A_16 : memref<512xi32, #tpu.memory_space<hbm>>) target_semaphore(%run_scoped3A : memref<!tpu.dma_semaphore, #tpu.memory_space<semaphore_mem>>)
      %dma_wait3A = tpu.memref_slice %arg3[%mul3A_11] : memref<16384xi32, #tpu.memory_space<hbm>> -> memref<512xi32, #tpu.memory_space<hbm>>
      %dma_wait3A_17 = tpu.memref_slice %arg3[%mul3A_11] : memref<16384xi32, #tpu.memory_space<hbm>> -> memref<512xi32, #tpu.memory_space<hbm>>
      tpu.wait_dma2 semaphore(%run_scoped3A : memref<!tpu.dma_semaphore, #tpu.memory_space<semaphore_mem>>) src(%arg6 : memref<512xi32, #tpu.memory_space<vmem>>) dst(%dma_wait3A_17 : memref<512xi32, #tpu.memory_space<hbm>>)
      tpu.yield
    }) : () -> ()
    %mul3A_12 = arith.constant 2 : i32
    %mul3A_13 = arith.muli %add3A, %mul3A_12 : i32
    %mul3A_14 = arith.constant 256 : i32
    %mul3A_15 = arith.muli %mul3A_13, %mul3A_14 : i32
    "tpu.region"() ({
      %run_scoped3A = tpu.sem_alloc : memref<!tpu.dma_semaphore, #tpu.memory_space<semaphore_mem>>
      %dma_start3A = tpu.memref_slice %arg4[%mul3A_15] : memref<16384xf32, #tpu.memory_space<hbm>> -> memref<512xf32, #tpu.memory_space<hbm>>
      %dma_start3A_16 = tpu.memref_slice %arg4[%mul3A_15] : memref<16384xf32, #tpu.memory_space<hbm>> -> memref<512xf32, #tpu.memory_space<hbm>>
      tpu.enqueue_dma source(%arg7 : memref<512xf32, #tpu.memory_space<vmem>>) target(%dma_start3A_16 : memref<512xf32, #tpu.memory_space<hbm>>) target_semaphore(%run_scoped3A : memref<!tpu.dma_semaphore, #tpu.memory_space<semaphore_mem>>)
      %dma_wait3A = tpu.memref_slice %arg4[%mul3A_15] : memref<16384xf32, #tpu.memory_space<hbm>> -> memref<512xf32, #tpu.memory_space<hbm>>
      %dma_wait3A_17 = tpu.memref_slice %arg4[%mul3A_15] : memref<16384xf32, #tpu.memory_space<hbm>> -> memref<512xf32, #tpu.memory_space<hbm>>
      tpu.wait_dma2 semaphore(%run_scoped3A : memref<!tpu.dma_semaphore, #tpu.memory_space<semaphore_mem>>) src(%arg7 : memref<512xf32, #tpu.memory_space<vmem>>) dst(%dma_wait3A_17 : memref<512xf32, #tpu.memory_space<hbm>>)
      tpu.yield
    }) : () -> ()
    return
  }
}

#map = affine_map<(d0, d1) -> (0, 0)>
#map1 = affine_map<(d0, d1) -> (0)>
module attributes {stable_mosaic.version = 14 : i64} {
  func.func @_route(%arg0: i32, %arg1: i32, %arg2: memref<1536x128xf32, #tpu.memory_space<hbm>>, %arg3: memref<49152xi32, #tpu.memory_space<hbm>>, %arg4: memref<49152xf32, #tpu.memory_space<hbm>>, %arg5: memref<48x128xf32, #tpu.memory_space<vmem>>, %arg6: memref<1536xi32, #tpu.memory_space<vmem>>, %arg7: memref<1536xf32, #tpu.memory_space<vmem>>) attributes {dimension_semantics = [#tpu.dimension_semantics<core_parallel>, #tpu.dimension_semantics<subcore_parallel>], iteration_bounds = array<i64: 2, 16>, scalar_prefetch = 0 : i64, scratch_operands = 3 : i64, tpu.core_type = #tpu.core_type<sc_vector_subcore>, window_params = [{transform_indices = #map}, {transform_indices = #map1}, {transform_indices = #map1}]} {
    %mul3A = arith.constant 2 : i32
    %mul3A_0 = arith.muli %arg1, %mul3A : i32
    %add3A = arith.addi %mul3A_0, %arg0 : i32
    %mul3A_1 = arith.constant 48 : i32
    %mul3A_2 = arith.muli %add3A, %mul3A_1 : i32
    "tpu.region"() ({
      %run_scoped3A = tpu.sem_alloc : memref<!tpu.dma_semaphore, #tpu.memory_space<semaphore_mem>>
      %dma_start3A = arith.constant 0 : i32
      %dma_start3A_16 = tpu.memref_slice %arg2[%mul3A_2, %dma_start3A] : memref<1536x128xf32, #tpu.memory_space<hbm>> -> memref<48x128xf32, #tpu.memory_space<hbm>>
      %dma_start3A_17 = arith.constant 0 : i32
      %dma_start3A_18 = tpu.memref_slice %arg2[%mul3A_2, %dma_start3A_17] : memref<1536x128xf32, #tpu.memory_space<hbm>> -> memref<48x128xf32, #tpu.memory_space<hbm>>
      tpu.enqueue_dma source(%dma_start3A_18 : memref<48x128xf32, #tpu.memory_space<hbm>>) target(%arg5 : memref<48x128xf32, #tpu.memory_space<vmem>>) target_semaphore(%run_scoped3A : memref<!tpu.dma_semaphore, #tpu.memory_space<semaphore_mem>>)
      %dma_wait3A = arith.constant 0 : i32
      %dma_wait3A_19 = tpu.memref_slice %arg2[%mul3A_2, %dma_wait3A] : memref<1536x128xf32, #tpu.memory_space<hbm>> -> memref<48x128xf32, #tpu.memory_space<hbm>>
      %dma_wait3A_20 = arith.constant 0 : i32
      %dma_wait3A_21 = tpu.memref_slice %arg2[%mul3A_2, %dma_wait3A_20] : memref<1536x128xf32, #tpu.memory_space<hbm>> -> memref<48x128xf32, #tpu.memory_space<hbm>>
      tpu.wait_dma2 semaphore(%run_scoped3A : memref<!tpu.dma_semaphore, #tpu.memory_space<semaphore_mem>>) src(%dma_wait3A_21 : memref<48x128xf32, #tpu.memory_space<hbm>>) dst(%arg5 : memref<48x128xf32, #tpu.memory_space<vmem>>)
      tpu.yield
    }) : () -> ()
    %scan3A = arith.constant 0 : i32
    %scan3A_3 = arith.constant 0 : i32
    %scan3A_4 = arith.constant 48 : i32
    %scan3A_5 = arith.addi %scan3A_3, %scan3A_4 : i32
    %scan3A_6 = arith.constant 1 : i32
    scf.for %scan3A_16 = %scan3A_3 to %scan3A_5 step %scan3A_6  : i32 {
      %shift_right_arithmetic3A = arith.constant 3 : i32
      %shift_right_arithmetic3A_17 = arith.shrsi %scan3A_16, %shift_right_arithmetic3A : i32
      %and3A = arith.constant 7 : i32
      %and3A_18 = arith.andi %scan3A_16, %and3A : i32
      %mul3A_19 = arith.constant 16 : i32
      %mul3A_20 = arith.muli %and3A_18, %mul3A_19 : i32
      %mul3A_21 = arith.constant 8 : i32
      %mul3A_22 = arith.muli %shift_right_arithmetic3A_17, %mul3A_21 : i32
      %add3A_23 = arith.constant 0 : i32
      %add3A_24 = arith.addi %mul3A_22, %add3A_23 : i32
      %get3A = arith.index_cast %add3A_24 : i32 to index
      %get3A_25 = arith.index_cast %mul3A_20 : i32 to index
      %get3A_26 = tpu.vector_load %arg5[%get3A, %get3A_25] {strides = array<i32>} : memref<48x128xf32, #tpu.memory_space<vmem>>, vector<16xf32>,
      %add3A_27 = arith.constant 1 : i32
      %add3A_28 = arith.addi %mul3A_22, %add3A_27 : i32
      %get3A_29 = arith.index_cast %add3A_28 : i32 to index
      %get3A_30 = arith.index_cast %mul3A_20 : i32 to index
      %get3A_31 = tpu.vector_load %arg5[%get3A_29, %get3A_30] {strides = array<i32>} : memref<48x128xf32, #tpu.memory_space<vmem>>, vector<16xf32>,
      %add3A_32 = arith.constant 2 : i32
      %add3A_33 = arith.addi %mul3A_22, %add3A_32 : i32
      %get3A_34 = arith.index_cast %add3A_33 : i32 to index
      %get3A_35 = arith.index_cast %mul3A_20 : i32 to index
      %get3A_36 = tpu.vector_load %arg5[%get3A_34, %get3A_35] {strides = array<i32>} : memref<48x128xf32, #tpu.memory_space<vmem>>, vector<16xf32>,
      %add3A_37 = arith.constant 3 : i32
      %add3A_38 = arith.addi %mul3A_22, %add3A_37 : i32
      %get3A_39 = arith.index_cast %add3A_38 : i32 to index
      %get3A_40 = arith.index_cast %mul3A_20 : i32 to index
      %get3A_41 = tpu.vector_load %arg5[%get3A_39, %get3A_40] {strides = array<i32>} : memref<48x128xf32, #tpu.memory_space<vmem>>, vector<16xf32>,
      %add3A_42 = arith.constant 4 : i32
      %add3A_43 = arith.addi %mul3A_22, %add3A_42 : i32
      %get3A_44 = arith.index_cast %add3A_43 : i32 to index
      %get3A_45 = arith.index_cast %mul3A_20 : i32 to index
      %get3A_46 = tpu.vector_load %arg5[%get3A_44, %get3A_45] {strides = array<i32>} : memref<48x128xf32, #tpu.memory_space<vmem>>, vector<16xf32>,
      %add3A_47 = arith.constant 5 : i32
      %add3A_48 = arith.addi %mul3A_22, %add3A_47 : i32
      %get3A_49 = arith.index_cast %add3A_48 : i32 to index
      %get3A_50 = arith.index_cast %mul3A_20 : i32 to index
      %get3A_51 = tpu.vector_load %arg5[%get3A_49, %get3A_50] {strides = array<i32>} : memref<48x128xf32, #tpu.memory_space<vmem>>, vector<16xf32>,
      %add3A_52 = arith.constant 6 : i32
      %add3A_53 = arith.addi %mul3A_22, %add3A_52 : i32
      %get3A_54 = arith.index_cast %add3A_53 : i32 to index
      %get3A_55 = arith.index_cast %mul3A_20 : i32 to index
      %get3A_56 = tpu.vector_load %arg5[%get3A_54, %get3A_55] {strides = array<i32>} : memref<48x128xf32, #tpu.memory_space<vmem>>, vector<16xf32>,
      %add3A_57 = arith.constant 7 : i32
      %add3A_58 = arith.addi %mul3A_22, %add3A_57 : i32
      %get3A_59 = arith.index_cast %add3A_58 : i32 to index
      %get3A_60 = arith.index_cast %mul3A_20 : i32 to index
      %get3A_61 = tpu.vector_load %arg5[%get3A_59, %get3A_60] {strides = array<i32>} : memref<48x128xf32, #tpu.memory_space<vmem>>, vector<16xf32>,
      %broadcast_in_dim3A = arith.constant 0 : i32
      %broadcast_in_dim3A_62 = vector.broadcast %broadcast_in_dim3A : i32 to vector<16xi32>
      %broadcast_in_dim3A_63 = arith.constant 0xFF800000 : f32
      %broadcast_in_dim3A_64 = vector.broadcast %broadcast_in_dim3A_63 : f32 to vector<16xf32>
      %broadcast_in_dim3A_65 = arith.constant 0 : i32
      %broadcast_in_dim3A_66 = vector.broadcast %broadcast_in_dim3A_65 : i32 to vector<16xi32>
      %broadcast_in_dim3A_67 = arith.constant 1 : i32
      %broadcast_in_dim3A_68 = vector.broadcast %broadcast_in_dim3A_67 : i32 to vector<16xi32>
      %gt3A = arith.cmpf ogt, %get3A_31, %get3A_26 : vector<16xf32>
      %gt3A_69 = arith.cmpf ogt, %get3A_31, %broadcast_in_dim3A_64 : vector<16xf32>
      %select_n3A = arith.select %gt3A_69, %get3A_31, %broadcast_in_dim3A_64 : vector<16xi1>, vector<16xf32>
      %select_n3A_70 = arith.select %gt3A, %get3A_26, %select_n3A : vector<16xi1>, vector<16xf32>
      %select_n3A_71 = arith.select %gt3A_69, %broadcast_in_dim3A_68, %broadcast_in_dim3A_66 : vector<16xi1>, vector<16xi32>
      %select_n3A_72 = arith.select %gt3A, %broadcast_in_dim3A_62, %select_n3A_71 : vector<16xi1>, vector<16xi32>
      %select_n3A_73 = arith.select %gt3A, %get3A_31, %get3A_26 : vector<16xi1>, vector<16xf32>
      %select_n3A_74 = arith.select %gt3A, %broadcast_in_dim3A_68, %broadcast_in_dim3A_62 : vector<16xi1>, vector<16xi32>
      %broadcast_in_dim3A_75 = arith.constant 2 : i32
      %broadcast_in_dim3A_76 = vector.broadcast %broadcast_in_dim3A_75 : i32 to vector<16xi32>
      %gt3A_77 = arith.cmpf ogt, %get3A_36, %select_n3A_73 : vector<16xf32>
      %gt3A_78 = arith.cmpf ogt, %get3A_36, %select_n3A_70 : vector<16xf32>
      %select_n3A_79 = arith.select %gt3A_78, %get3A_36, %select_n3A_70 : vector<16xi1>, vector<16xf32>
      %select_n3A_80 = arith.select %gt3A_77, %select_n3A_73, %select_n3A_79 : vector<16xi1>, vector<16xf32>
      %select_n3A_81 = arith.select %gt3A_78, %broadcast_in_dim3A_76, %select_n3A_72 : vector<16xi1>, vector<16xi32>
      %select_n3A_82 = arith.select %gt3A_77, %select_n3A_74, %select_n3A_81 : vector<16xi1>, vector<16xi32>
      %select_n3A_83 = arith.select %gt3A_77, %get3A_36, %select_n3A_73 : vector<16xi1>, vector<16xf32>
      %select_n3A_84 = arith.select %gt3A_77, %broadcast_in_dim3A_76, %select_n3A_74 : vector<16xi1>, vector<16xi32>
      %broadcast_in_dim3A_85 = arith.constant 3 : i32
      %broadcast_in_dim3A_86 = vector.broadcast %broadcast_in_dim3A_85 : i32 to vector<16xi32>
      %gt3A_87 = arith.cmpf ogt, %get3A_41, %select_n3A_83 : vector<16xf32>
      %gt3A_88 = arith.cmpf ogt, %get3A_41, %select_n3A_80 : vector<16xf32>
      %select_n3A_89 = arith.select %gt3A_88, %get3A_41, %select_n3A_80 : vector<16xi1>, vector<16xf32>
      %select_n3A_90 = arith.select %gt3A_87, %select_n3A_83, %select_n3A_89 : vector<16xi1>, vector<16xf32>
      %select_n3A_91 = arith.select %gt3A_88, %broadcast_in_dim3A_86, %select_n3A_82 : vector<16xi1>, vector<16xi32>
      %select_n3A_92 = arith.select %gt3A_87, %select_n3A_84, %select_n3A_91 : vector<16xi1>, vector<16xi32>
      %select_n3A_93 = arith.select %gt3A_87, %get3A_41, %select_n3A_83 : vector<16xi1>, vector<16xf32>
      %select_n3A_94 = arith.select %gt3A_87, %broadcast_in_dim3A_86, %select_n3A_84 : vector<16xi1>, vector<16xi32>
      %broadcast_in_dim3A_95 = arith.constant 4 : i32
      %broadcast_in_dim3A_96 = vector.broadcast %broadcast_in_dim3A_95 : i32 to vector<16xi32>
      %gt3A_97 = arith.cmpf ogt, %get3A_46, %select_n3A_93 : vector<16xf32>
      %gt3A_98 = arith.cmpf ogt, %get3A_46, %select_n3A_90 : vector<16xf32>
      %select_n3A_99 = arith.select %gt3A_98, %get3A_46, %select_n3A_90 : vector<16xi1>, vector<16xf32>
      %select_n3A_100 = arith.select %gt3A_97, %select_n3A_93, %select_n3A_99 : vector<16xi1>, vector<16xf32>
      %select_n3A_101 = arith.select %gt3A_98, %broadcast_in_dim3A_96, %select_n3A_92 : vector<16xi1>, vector<16xi32>
      %select_n3A_102 = arith.select %gt3A_97, %select_n3A_94, %select_n3A_101 : vector<16xi1>, vector<16xi32>
      %select_n3A_103 = arith.select %gt3A_97, %get3A_46, %select_n3A_93 : vector<16xi1>, vector<16xf32>
      %select_n3A_104 = arith.select %gt3A_97, %broadcast_in_dim3A_96, %select_n3A_94 : vector<16xi1>, vector<16xi32>
      %broadcast_in_dim3A_105 = arith.constant 5 : i32
      %broadcast_in_dim3A_106 = vector.broadcast %broadcast_in_dim3A_105 : i32 to vector<16xi32>
      %gt3A_107 = arith.cmpf ogt, %get3A_51, %select_n3A_103 : vector<16xf32>
      %gt3A_108 = arith.cmpf ogt, %get3A_51, %select_n3A_100 : vector<16xf32>
      %select_n3A_109 = arith.select %gt3A_108, %get3A_51, %select_n3A_100 : vector<16xi1>, vector<16xf32>
      %select_n3A_110 = arith.select %gt3A_107, %select_n3A_103, %select_n3A_109 : vector<16xi1>, vector<16xf32>
      %select_n3A_111 = arith.select %gt3A_108, %broadcast_in_dim3A_106, %select_n3A_102 : vector<16xi1>, vector<16xi32>
      %select_n3A_112 = arith.select %gt3A_107, %select_n3A_104, %select_n3A_111 : vector<16xi1>, vector<16xi32>
      %select_n3A_113 = arith.select %gt3A_107, %get3A_51, %select_n3A_103 : vector<16xi1>, vector<16xf32>
      %select_n3A_114 = arith.select %gt3A_107, %broadcast_in_dim3A_106, %select_n3A_104 : vector<16xi1>, vector<16xi32>
      %broadcast_in_dim3A_115 = arith.constant 6 : i32
      %broadcast_in_dim3A_116 = vector.broadcast %broadcast_in_dim3A_115 : i32 to vector<16xi32>
      %gt3A_117 = arith.cmpf ogt, %get3A_56, %select_n3A_113 : vector<16xf32>
      %gt3A_118 = arith.cmpf ogt, %get3A_56, %select_n3A_110 : vector<16xf32>
      %select_n3A_119 = arith.select %gt3A_118, %get3A_56, %select_n3A_110 : vector<16xi1>, vector<16xf32>
      %select_n3A_120 = arith.select %gt3A_117, %select_n3A_113, %select_n3A_119 : vector<16xi1>, vector<16xf32>
      %select_n3A_121 = arith.select %gt3A_118, %broadcast_in_dim3A_116, %select_n3A_112 : vector<16xi1>, vector<16xi32>
      %select_n3A_122 = arith.select %gt3A_117, %select_n3A_114, %select_n3A_121 : vector<16xi1>, vector<16xi32>
      %select_n3A_123 = arith.select %gt3A_117, %get3A_56, %select_n3A_113 : vector<16xi1>, vector<16xf32>
      %select_n3A_124 = arith.select %gt3A_117, %broadcast_in_dim3A_116, %select_n3A_114 : vector<16xi1>, vector<16xi32>
      %broadcast_in_dim3A_125 = arith.constant 7 : i32
      %broadcast_in_dim3A_126 = vector.broadcast %broadcast_in_dim3A_125 : i32 to vector<16xi32>
      %gt3A_127 = arith.cmpf ogt, %get3A_61, %select_n3A_123 : vector<16xf32>
      %gt3A_128 = arith.cmpf ogt, %get3A_61, %select_n3A_120 : vector<16xf32>
      %select_n3A_129 = arith.select %gt3A_128, %get3A_61, %select_n3A_120 : vector<16xi1>, vector<16xf32>
      %select_n3A_130 = arith.select %gt3A_127, %select_n3A_123, %select_n3A_129 : vector<16xi1>, vector<16xf32>
      %select_n3A_131 = arith.select %gt3A_128, %broadcast_in_dim3A_126, %select_n3A_122 : vector<16xi1>, vector<16xi32>
      %select_n3A_132 = arith.select %gt3A_127, %select_n3A_124, %select_n3A_131 : vector<16xi1>, vector<16xi32>
      %select_n3A_133 = arith.select %gt3A_127, %get3A_61, %select_n3A_123 : vector<16xi1>, vector<16xf32>
      %select_n3A_134 = arith.select %gt3A_127, %broadcast_in_dim3A_126, %select_n3A_124 : vector<16xi1>, vector<16xi32>
      %sub3A = arith.subf %get3A_26, %select_n3A_133 : vector<16xf32>
      %exp3A = math.exp %sub3A : vector<16xf32>
      %sub3A_135 = arith.subf %get3A_31, %select_n3A_133 : vector<16xf32>
      %exp3A_136 = math.exp %sub3A_135 : vector<16xf32>
      %add3A_137 = arith.addf %exp3A, %exp3A_136 : vector<16xf32>
      %sub3A_138 = arith.subf %get3A_36, %select_n3A_133 : vector<16xf32>
      %exp3A_139 = math.exp %sub3A_138 : vector<16xf32>
      %add3A_140 = arith.addf %add3A_137, %exp3A_139 : vector<16xf32>
      %sub3A_141 = arith.subf %get3A_41, %select_n3A_133 : vector<16xf32>
      %exp3A_142 = math.exp %sub3A_141 : vector<16xf32>
      %add3A_143 = arith.addf %add3A_140, %exp3A_142 : vector<16xf32>
      %sub3A_144 = arith.subf %get3A_46, %select_n3A_133 : vector<16xf32>
      %exp3A_145 = math.exp %sub3A_144 : vector<16xf32>
      %add3A_146 = arith.addf %add3A_143, %exp3A_145 : vector<16xf32>
      %sub3A_147 = arith.subf %get3A_51, %select_n3A_133 : vector<16xf32>
      %exp3A_148 = math.exp %sub3A_147 : vector<16xf32>
      %add3A_149 = arith.addf %add3A_146, %exp3A_148 : vector<16xf32>
      %sub3A_150 = arith.subf %get3A_56, %select_n3A_133 : vector<16xf32>
      %exp3A_151 = math.exp %sub3A_150 : vector<16xf32>
      %add3A_152 = arith.addf %add3A_149, %exp3A_151 : vector<16xf32>
      %sub3A_153 = arith.subf %get3A_61, %select_n3A_133 : vector<16xf32>
      %exp3A_154 = math.exp %sub3A_153 : vector<16xf32>
      %add3A_155 = arith.addf %add3A_152, %exp3A_154 : vector<16xf32>
      %mul3A_156 = arith.constant 256 : i32
      %mul3A_157 = arith.muli %shift_right_arithmetic3A_17, %mul3A_156 : i32
      %add3A_158 = arith.addi %mul3A_157, %mul3A_20 : i32
      %swap3A = arith.index_cast %add3A_158 : i32 to index
      %swap3A_159 = tpu.vector_load %arg6[%swap3A] {strides = array<i32>} : memref<1536xi32, #tpu.memory_space<vmem>>, vector<16xi32>,
      tpu.vector_store %arg6[%swap3A], %select_n3A_134 {strides = array<i32>} : memref<1536xi32, #tpu.memory_space<vmem>>, vector<16xi32>,
      %add3A_160 = arith.constant 128 : i32
      %add3A_161 = arith.addi %add3A_158, %add3A_160 : i32
      %swap3A_162 = arith.index_cast %add3A_161 : i32 to index
      %swap3A_163 = tpu.vector_load %arg6[%swap3A_162] {strides = array<i32>} : memref<1536xi32, #tpu.memory_space<vmem>>, vector<16xi32>,
      tpu.vector_store %arg6[%swap3A_162], %select_n3A_132 {strides = array<i32>} : memref<1536xi32, #tpu.memory_space<vmem>>, vector<16xi32>,
      %div3A = arith.constant 1.000000e+00 : f32
      %div3A_164 = vector.broadcast %div3A : f32 to vector<16xf32>
      %div3A_165 = arith.divf %div3A_164, %add3A_155 : vector<16xf32>
      %swap3A_166 = arith.index_cast %add3A_158 : i32 to index
      %swap3A_167 = tpu.vector_load %arg7[%swap3A_166] {strides = array<i32>} : memref<1536xf32, #tpu.memory_space<vmem>>, vector<16xf32>,
      tpu.vector_store %arg7[%swap3A_166], %div3A_165 {strides = array<i32>} : memref<1536xf32, #tpu.memory_space<vmem>>, vector<16xf32>,
      %sub3A_168 = arith.subf %select_n3A_130, %select_n3A_133 : vector<16xf32>
      %exp3A_169 = math.exp %sub3A_168 : vector<16xf32>
      %div3A_170 = arith.divf %exp3A_169, %add3A_155 : vector<16xf32>
      %add3A_171 = arith.constant 128 : i32
      %add3A_172 = arith.addi %add3A_158, %add3A_171 : i32
      %swap3A_173 = arith.index_cast %add3A_172 : i32 to index
      %swap3A_174 = tpu.vector_load %arg7[%swap3A_173] {strides = array<i32>} : memref<1536xf32, #tpu.memory_space<vmem>>, vector<16xf32>,
      tpu.vector_store %arg7[%swap3A_173], %div3A_170 {strides = array<i32>} : memref<1536xf32, #tpu.memory_space<vmem>>, vector<16xf32>,
    }
    %scan3A_7 = arith.constant 48 : i32
    %mul3A_8 = arith.constant 2 : i32
    %mul3A_9 = arith.muli %add3A, %mul3A_8 : i32
    %mul3A_10 = arith.constant 768 : i32
    %mul3A_11 = arith.muli %mul3A_9, %mul3A_10 : i32
    "tpu.region"() ({
      %run_scoped3A = tpu.sem_alloc : memref<!tpu.dma_semaphore, #tpu.memory_space<semaphore_mem>>
      %dma_start3A = tpu.memref_slice %arg3[%mul3A_11] : memref<49152xi32, #tpu.memory_space<hbm>> -> memref<1536xi32, #tpu.memory_space<hbm>>
      %dma_start3A_16 = tpu.memref_slice %arg3[%mul3A_11] : memref<49152xi32, #tpu.memory_space<hbm>> -> memref<1536xi32, #tpu.memory_space<hbm>>
      tpu.enqueue_dma source(%arg6 : memref<1536xi32, #tpu.memory_space<vmem>>) target(%dma_start3A_16 : memref<1536xi32, #tpu.memory_space<hbm>>) target_semaphore(%run_scoped3A : memref<!tpu.dma_semaphore, #tpu.memory_space<semaphore_mem>>)
      %dma_wait3A = tpu.memref_slice %arg3[%mul3A_11] : memref<49152xi32, #tpu.memory_space<hbm>> -> memref<1536xi32, #tpu.memory_space<hbm>>
      %dma_wait3A_17 = tpu.memref_slice %arg3[%mul3A_11] : memref<49152xi32, #tpu.memory_space<hbm>> -> memref<1536xi32, #tpu.memory_space<hbm>>
      tpu.wait_dma2 semaphore(%run_scoped3A : memref<!tpu.dma_semaphore, #tpu.memory_space<semaphore_mem>>) src(%arg6 : memref<1536xi32, #tpu.memory_space<vmem>>) dst(%dma_wait3A_17 : memref<1536xi32, #tpu.memory_space<hbm>>)
      tpu.yield
    }) : () -> ()
    %mul3A_12 = arith.constant 2 : i32
    %mul3A_13 = arith.muli %add3A, %mul3A_12 : i32
    %mul3A_14 = arith.constant 768 : i32
    %mul3A_15 = arith.muli %mul3A_13, %mul3A_14 : i32
    "tpu.region"() ({
      %run_scoped3A = tpu.sem_alloc : memref<!tpu.dma_semaphore, #tpu.memory_space<semaphore_mem>>
      %dma_start3A = tpu.memref_slice %arg4[%mul3A_15] : memref<49152xf32, #tpu.memory_space<hbm>> -> memref<1536xf32, #tpu.memory_space<hbm>>
      %dma_start3A_16 = tpu.memref_slice %arg4[%mul3A_15] : memref<49152xf32, #tpu.memory_space<hbm>> -> memref<1536xf32, #tpu.memory_space<hbm>>
      tpu.enqueue_dma source(%arg7 : memref<1536xf32, #tpu.memory_space<vmem>>) target(%dma_start3A_16 : memref<1536xf32, #tpu.memory_space<hbm>>) target_semaphore(%run_scoped3A : memref<!tpu.dma_semaphore, #tpu.memory_space<semaphore_mem>>)
      %dma_wait3A = tpu.memref_slice %arg4[%mul3A_15] : memref<49152xf32, #tpu.memory_space<hbm>> -> memref<1536xf32, #tpu.memory_space<hbm>>
      %dma_wait3A_17 = tpu.memref_slice %arg4[%mul3A_15] : memref<49152xf32, #tpu.memory_space<hbm>> -> memref<1536xf32, #tpu.memory_space<hbm>>
      tpu.wait_dma2 semaphore(%run_scoped3A : memref<!tpu.dma_semaphore, #tpu.memory_space<semaphore_mem>>) src(%arg7 : memref<1536xf32, #tpu.memory_space<vmem>>) dst(%dma_wait3A_17 : memref<1536xf32, #tpu.memory_space<hbm>>)
      tpu.yield
    }) : () -> ()
    return
  }
}

module attributes {stable_mosaic.version = 14 : i64} {
  func.func @_logits_body(%arg0: i32, %arg1: memref<2048x768xf32, #tpu.memory_space<vmem>>, %arg2: memref<8x768xf32, #tpu.memory_space<vmem>>, %arg3: memref<8x1xf32, #tpu.memory_space<vmem>>, %arg4: memref<128x128xf32, #tpu.memory_space<vmem>>) attributes {dimension_semantics = [#tpu.dimension_semantics<arbitrary>], iteration_bounds = array<i64: 12>, scalar_prefetch = 0 : i64, scratch_operands = 0 : i64, tpu.core_type = #tpu.core_type<tc>, window_params = [{transform_indices = @transform_0, window_bounds = array<i64: 2048, 768>}, {pipeline_mode = #tpu.pipeline_mode<synchronous>, transform_indices = @transform_1, window_bounds = array<i64: 8, 768>}, {pipeline_mode = #tpu.pipeline_mode<synchronous>, transform_indices = @transform_2, window_bounds = array<i64: 8, 1>}, {transform_indices = @transform_3, window_bounds = array<i64: 128, 128>}]} {
    %get3A = arith.constant 0 : index
    %get3A_0 = arith.constant 0 : index
    %get3A_1 = vector.load %arg2[%get3A, %get3A_0] : memref<8x768xf32, #tpu.memory_space<vmem>>, vector<8x768xf32>
    %get3A_2 = arith.constant 0 : index
    %get3A_3 = arith.constant 0 : index
    %get3A_4 = vector.load %arg1[%get3A_2, %get3A_3] : memref<2048x768xf32, #tpu.memory_space<vmem>>, vector<2048x768xf32>
    %dot_general3A = arith.constant dense<0.000000e+00> : vector<8x2048xf32>
    %dot_general3A_5 = tpu.matmul %get3A_1, %get3A_4, %dot_general3A {dimension_numbers = #tpu.dot_dimension_numbers<[1], [1], [0], [0], [0, 0, 1, 0], [], []>, transpose_lhs_hint = false} : vector<8x768xf32>, vector<2048x768xf32>, vector<8x2048xf32> -> vector<8x2048xf32>
    %get3A_6 = arith.constant 0 : index
    %get3A_7 = arith.constant 0 : index
    %get3A_8 = vector.load %arg3[%get3A_6, %get3A_7] : memref<8x1xf32, #tpu.memory_space<vmem>>, vector<8x1xf32>
    %add3A = vector.broadcast %get3A_8 : vector<8x1xf32> to vector<8x2048xf32>
    %add3A_9 = arith.addf %dot_general3A_5, %add3A : vector<8x2048xf32>
    %slice3A = vector.extract_strided_slice %add3A_9 {offsets = [0, 0], sizes = [8, 128], strides = [1, 1]} : vector<8x2048xf32> to vector<8x128xf32>
    %swap3A = arith.constant 0 : index
    %swap3A_10 = arith.constant 0 : index
    %swap3A_11 = vector.load %arg4[%swap3A, %swap3A_10] : memref<128x128xf32, #tpu.memory_space<vmem>>, vector<8x128xf32>
    tpu.vector_store %arg4[%swap3A, %swap3A_10], %slice3A {strides = array<i32>} : memref<128x128xf32, #tpu.memory_space<vmem>>, vector<8x128xf32>,
    %slice3A_12 = vector.extract_strided_slice %add3A_9 {offsets = [0, 128], sizes = [8, 128], strides = [1, 1]} : vector<8x2048xf32> to vector<8x128xf32>
    %swap3A_13 = arith.constant 8 : index
    %swap3A_14 = arith.constant 0 : index
    %swap3A_15 = vector.load %arg4[%swap3A_13, %swap3A_14] : memref<128x128xf32, #tpu.memory_space<vmem>>, vector<8x128xf32>
    tpu.vector_store %arg4[%swap3A_13, %swap3A_14], %slice3A_12 {strides = array<i32>} : memref<128x128xf32, #tpu.memory_space<vmem>>, vector<8x128xf32>,
    %slice3A_16 = vector.extract_strided_slice %add3A_9 {offsets = [0, 256], sizes = [8, 128], strides = [1, 1]} : vector<8x2048xf32> to vector<8x128xf32>
    %swap3A_17 = arith.constant 16 : index
    %swap3A_18 = arith.constant 0 : index
    %swap3A_19 = vector.load %arg4[%swap3A_17, %swap3A_18] : memref<128x128xf32, #tpu.memory_space<vmem>>, vector<8x128xf32>
    tpu.vector_store %arg4[%swap3A_17, %swap3A_18], %slice3A_16 {strides = array<i32>} : memref<128x128xf32, #tpu.memory_space<vmem>>, vector<8x128xf32>,
    %slice3A_20 = vector.extract_strided_slice %add3A_9 {offsets = [0, 384], sizes = [8, 128], strides = [1, 1]} : vector<8x2048xf32> to vector<8x128xf32>
    %swap3A_21 = arith.constant 24 : index
    %swap3A_22 = arith.constant 0 : index
    %swap3A_23 = vector.load %arg4[%swap3A_21, %swap3A_22] : memref<128x128xf32, #tpu.memory_space<vmem>>, vector<8x128xf32>
    tpu.vector_store %arg4[%swap3A_21, %swap3A_22], %slice3A_20 {strides = array<i32>} : memref<128x128xf32, #tpu.memory_space<vmem>>, vector<8x128xf32>,
    %slice3A_24 = vector.extract_strided_slice %add3A_9 {offsets = [0, 512], sizes = [8, 128], strides = [1, 1]} : vector<8x2048xf32> to vector<8x128xf32>
    %swap3A_25 = arith.constant 32 : index
    %swap3A_26 = arith.constant 0 : index
    %swap3A_27 = vector.load %arg4[%swap3A_25, %swap3A_26] : memref<128x128xf32, #tpu.memory_space<vmem>>, vector<8x128xf32>
    tpu.vector_store %arg4[%swap3A_25, %swap3A_26], %slice3A_24 {strides = array<i32>} : memref<128x128xf32, #tpu.memory_space<vmem>>, vector<8x128xf32>,
    %slice3A_28 = vector.extract_strided_slice %add3A_9 {offsets = [0, 640], sizes = [8, 128], strides = [1, 1]} : vector<8x2048xf32> to vector<8x128xf32>
    %swap3A_29 = arith.constant 40 : index
    %swap3A_30 = arith.constant 0 : index
    %swap3A_31 = vector.load %arg4[%swap3A_29, %swap3A_30] : memref<128x128xf32, #tpu.memory_space<vmem>>, vector<8x128xf32>
    tpu.vector_store %arg4[%swap3A_29, %swap3A_30], %slice3A_28 {strides = array<i32>} : memref<128x128xf32, #tpu.memory_space<vmem>>, vector<8x128xf32>,
    %slice3A_32 = vector.extract_strided_slice %add3A_9 {offsets = [0, 768], sizes = [8, 128], strides = [1, 1]} : vector<8x2048xf32> to vector<8x128xf32>
    %swap3A_33 = arith.constant 48 : index
    %swap3A_34 = arith.constant 0 : index
    %swap3A_35 = vector.load %arg4[%swap3A_33, %swap3A_34] : memref<128x128xf32, #tpu.memory_space<vmem>>, vector<8x128xf32>
    tpu.vector_store %arg4[%swap3A_33, %swap3A_34], %slice3A_32 {strides = array<i32>} : memref<128x128xf32, #tpu.memory_space<vmem>>, vector<8x128xf32>,
    %slice3A_36 = vector.extract_strided_slice %add3A_9 {offsets = [0, 896], sizes = [8, 128], strides = [1, 1]} : vector<8x2048xf32> to vector<8x128xf32>
    %swap3A_37 = arith.constant 56 : index
    %swap3A_38 = arith.constant 0 : index
    %swap3A_39 = vector.load %arg4[%swap3A_37, %swap3A_38] : memref<128x128xf32, #tpu.memory_space<vmem>>, vector<8x128xf32>
    tpu.vector_store %arg4[%swap3A_37, %swap3A_38], %slice3A_36 {strides = array<i32>} : memref<128x128xf32, #tpu.memory_space<vmem>>, vector<8x128xf32>,
    %slice3A_40 = vector.extract_strided_slice %add3A_9 {offsets = [0, 1024], sizes = [8, 128], strides = [1, 1]} : vector<8x2048xf32> to vector<8x128xf32>
    %swap3A_41 = arith.constant 64 : index
    %swap3A_42 = arith.constant 0 : index
    %swap3A_43 = vector.load %arg4[%swap3A_41, %swap3A_42] : memref<128x128xf32, #tpu.memory_space<vmem>>, vector<8x128xf32>
    tpu.vector_store %arg4[%swap3A_41, %swap3A_42], %slice3A_40 {strides = array<i32>} : memref<128x128xf32, #tpu.memory_space<vmem>>, vector<8x128xf32>,
    %slice3A_44 = vector.extract_strided_slice %add3A_9 {offsets = [0, 1152], sizes = [8, 128], strides = [1, 1]} : vector<8x2048xf32> to vector<8x128xf32>
    %swap3A_45 = arith.constant 72 : index
    %swap3A_46 = arith.constant 0 : index
    %swap3A_47 = vector.load %arg4[%swap3A_45, %swap3A_46] : memref<128x128xf32, #tpu.memory_space<vmem>>, vector<8x128xf32>
    tpu.vector_store %arg4[%swap3A_45, %swap3A_46], %slice3A_44 {strides = array<i32>} : memref<128x128xf32, #tpu.memory_space<vmem>>, vector<8x128xf32>,
    %slice3A_48 = vector.extract_strided_slice %add3A_9 {offsets = [0, 1280], sizes = [8, 128], strides = [1, 1]} : vector<8x2048xf32> to vector<8x128xf32>
    %swap3A_49 = arith.constant 80 : index
    %swap3A_50 = arith.constant 0 : index
    %swap3A_51 = vector.load %arg4[%swap3A_49, %swap3A_50] : memref<128x128xf32, #tpu.memory_space<vmem>>, vector<8x128xf32>
    tpu.vector_store %arg4[%swap3A_49, %swap3A_50], %slice3A_48 {strides = array<i32>} : memref<128x128xf32, #tpu.memory_space<vmem>>, vector<8x128xf32>,
    %slice3A_52 = vector.extract_strided_slice %add3A_9 {offsets = [0, 1408], sizes = [8, 128], strides = [1, 1]} : vector<8x2048xf32> to vector<8x128xf32>
    %swap3A_53 = arith.constant 88 : index
    %swap3A_54 = arith.constant 0 : index
    %swap3A_55 = vector.load %arg4[%swap3A_53, %swap3A_54] : memref<128x128xf32, #tpu.memory_space<vmem>>, vector<8x128xf32>
    tpu.vector_store %arg4[%swap3A_53, %swap3A_54], %slice3A_52 {strides = array<i32>} : memref<128x128xf32, #tpu.memory_space<vmem>>, vector<8x128xf32>,
    %slice3A_56 = vector.extract_strided_slice %add3A_9 {offsets = [0, 1536], sizes = [8, 128], strides = [1, 1]} : vector<8x2048xf32> to vector<8x128xf32>
    %swap3A_57 = arith.constant 96 : index
    %swap3A_58 = arith.constant 0 : index
    %swap3A_59 = vector.load %arg4[%swap3A_57, %swap3A_58] : memref<128x128xf32, #tpu.memory_space<vmem>>, vector<8x128xf32>
    tpu.vector_store %arg4[%swap3A_57, %swap3A_58], %slice3A_56 {strides = array<i32>} : memref<128x128xf32, #tpu.memory_space<vmem>>, vector<8x128xf32>,
    %slice3A_60 = vector.extract_strided_slice %add3A_9 {offsets = [0, 1664], sizes = [8, 128], strides = [1, 1]} : vector<8x2048xf32> to vector<8x128xf32>
    %swap3A_61 = arith.constant 104 : index
    %swap3A_62 = arith.constant 0 : index
    %swap3A_63 = vector.load %arg4[%swap3A_61, %swap3A_62] : memref<128x128xf32, #tpu.memory_space<vmem>>, vector<8x128xf32>
    tpu.vector_store %arg4[%swap3A_61, %swap3A_62], %slice3A_60 {strides = array<i32>} : memref<128x128xf32, #tpu.memory_space<vmem>>, vector<8x128xf32>,
    %slice3A_64 = vector.extract_strided_slice %add3A_9 {offsets = [0, 1792], sizes = [8, 128], strides = [1, 1]} : vector<8x2048xf32> to vector<8x128xf32>
    %swap3A_65 = arith.constant 112 : index
    %swap3A_66 = arith.constant 0 : index
    %swap3A_67 = vector.load %arg4[%swap3A_65, %swap3A_66] : memref<128x128xf32, #tpu.memory_space<vmem>>, vector<8x128xf32>
    tpu.vector_store %arg4[%swap3A_65, %swap3A_66], %slice3A_64 {strides = array<i32>} : memref<128x128xf32, #tpu.memory_space<vmem>>, vector<8x128xf32>,
    %slice3A_68 = vector.extract_strided_slice %add3A_9 {offsets = [0, 1920], sizes = [8, 128], strides = [1, 1]} : vector<8x2048xf32> to vector<8x128xf32>
    %swap3A_69 = arith.constant 120 : index
    %swap3A_70 = arith.constant 0 : index
    %swap3A_71 = vector.load %arg4[%swap3A_69, %swap3A_70] : memref<128x128xf32, #tpu.memory_space<vmem>>, vector<8x128xf32>
    tpu.vector_store %arg4[%swap3A_69, %swap3A_70], %slice3A_68 {strides = array<i32>} : memref<128x128xf32, #tpu.memory_space<vmem>>, vector<8x128xf32>,
    return
  }
  func.func @transform_0(%arg0: i32) -> (i32, i32) {
    %add3A = arith.constant 0 : i32
    %add3A_0 = arith.addi %arg0, %add3A : i32
    %c0_i32 = arith.constant 0 : i32
    %c0_i32_1 = arith.constant 0 : i32
    return %add3A_0, %c0_i32 : i32, i32
  }
  func.func @transform_1(%arg0: i32) -> (i32, i32) {
    %c0_i32 = arith.constant 0 : i32
    %c0_i32_0 = arith.constant 0 : i32
    %c0_i32_1 = arith.constant 0 : i32
    return %c0_i32, %c0_i32_0 : i32, i32
  }
  func.func @transform_2(%arg0: i32) -> (i32, i32) {
    %c0_i32 = arith.constant 0 : i32
    %c0_i32_0 = arith.constant 0 : i32
    %c0_i32_1 = arith.constant 0 : i32
    return %c0_i32, %c0_i32_0 : i32, i32
  }
  func.func @transform_3(%arg0: i32) -> (i32, i32) {
    %c0_i32 = arith.constant 0 : i32
    %c0_i32_0 = arith.constant 0 : i32
    return %arg0, %c0_i32 : i32, i32
  }
}

module attributes {stable_mosaic.version = 14 : i64} {
  func.func @_logits_body(%arg0: i32, %arg1: memref<2048x768xf32, #tpu.memory_space<vmem>>, %arg2: memref<8x768xf32, #tpu.memory_space<vmem>>, %arg3: memref<8x1xf32, #tpu.memory_space<vmem>>, %arg4: memref<128x128xf32, #tpu.memory_space<vmem>>) attributes {dimension_semantics = [#tpu.dimension_semantics<arbitrary>], iteration_bounds = array<i64: 4>, scalar_prefetch = 0 : i64, scratch_operands = 0 : i64, tpu.core_type = #tpu.core_type<tc>, window_params = [{transform_indices = @transform_0, window_bounds = array<i64: 2048, 768>}, {pipeline_mode = #tpu.pipeline_mode<synchronous>, transform_indices = @transform_1, window_bounds = array<i64: 8, 768>}, {pipeline_mode = #tpu.pipeline_mode<synchronous>, transform_indices = @transform_2, window_bounds = array<i64: 8, 1>}, {transform_indices = @transform_3, window_bounds = array<i64: 128, 128>}]} {
    %get3A = arith.constant 0 : index
    %get3A_0 = arith.constant 0 : index
    %get3A_1 = vector.load %arg2[%get3A, %get3A_0] : memref<8x768xf32, #tpu.memory_space<vmem>>, vector<8x768xf32>
    %get3A_2 = arith.constant 0 : index
    %get3A_3 = arith.constant 0 : index
    %get3A_4 = vector.load %arg1[%get3A_2, %get3A_3] : memref<2048x768xf32, #tpu.memory_space<vmem>>, vector<2048x768xf32>
    %dot_general3A = arith.constant dense<0.000000e+00> : vector<8x2048xf32>
    %dot_general3A_5 = tpu.matmul %get3A_1, %get3A_4, %dot_general3A {dimension_numbers = #tpu.dot_dimension_numbers<[1], [1], [0], [0], [0, 0, 1, 0], [], []>, transpose_lhs_hint = false} : vector<8x768xf32>, vector<2048x768xf32>, vector<8x2048xf32> -> vector<8x2048xf32>
    %get3A_6 = arith.constant 0 : index
    %get3A_7 = arith.constant 0 : index
    %get3A_8 = vector.load %arg3[%get3A_6, %get3A_7] : memref<8x1xf32, #tpu.memory_space<vmem>>, vector<8x1xf32>
    %add3A = vector.broadcast %get3A_8 : vector<8x1xf32> to vector<8x2048xf32>
    %add3A_9 = arith.addf %dot_general3A_5, %add3A : vector<8x2048xf32>
    %slice3A = vector.extract_strided_slice %add3A_9 {offsets = [0, 0], sizes = [8, 128], strides = [1, 1]} : vector<8x2048xf32> to vector<8x128xf32>
    %swap3A = arith.constant 0 : index
    %swap3A_10 = arith.constant 0 : index
    %swap3A_11 = vector.load %arg4[%swap3A, %swap3A_10] : memref<128x128xf32, #tpu.memory_space<vmem>>, vector<8x128xf32>
    tpu.vector_store %arg4[%swap3A, %swap3A_10], %slice3A {strides = array<i32>} : memref<128x128xf32, #tpu.memory_space<vmem>>, vector<8x128xf32>,
    %slice3A_12 = vector.extract_strided_slice %add3A_9 {offsets = [0, 128], sizes = [8, 128], strides = [1, 1]} : vector<8x2048xf32> to vector<8x128xf32>
    %swap3A_13 = arith.constant 8 : index
    %swap3A_14 = arith.constant 0 : index
    %swap3A_15 = vector.load %arg4[%swap3A_13, %swap3A_14] : memref<128x128xf32, #tpu.memory_space<vmem>>, vector<8x128xf32>
    tpu.vector_store %arg4[%swap3A_13, %swap3A_14], %slice3A_12 {strides = array<i32>} : memref<128x128xf32, #tpu.memory_space<vmem>>, vector<8x128xf32>,
    %slice3A_16 = vector.extract_strided_slice %add3A_9 {offsets = [0, 256], sizes = [8, 128], strides = [1, 1]} : vector<8x2048xf32> to vector<8x128xf32>
    %swap3A_17 = arith.constant 16 : index
    %swap3A_18 = arith.constant 0 : index
    %swap3A_19 = vector.load %arg4[%swap3A_17, %swap3A_18] : memref<128x128xf32, #tpu.memory_space<vmem>>, vector<8x128xf32>
    tpu.vector_store %arg4[%swap3A_17, %swap3A_18], %slice3A_16 {strides = array<i32>} : memref<128x128xf32, #tpu.memory_space<vmem>>, vector<8x128xf32>,
    %slice3A_20 = vector.extract_strided_slice %add3A_9 {offsets = [0, 384], sizes = [8, 128], strides = [1, 1]} : vector<8x2048xf32> to vector<8x128xf32>
    %swap3A_21 = arith.constant 24 : index
    %swap3A_22 = arith.constant 0 : index
    %swap3A_23 = vector.load %arg4[%swap3A_21, %swap3A_22] : memref<128x128xf32, #tpu.memory_space<vmem>>, vector<8x128xf32>
    tpu.vector_store %arg4[%swap3A_21, %swap3A_22], %slice3A_20 {strides = array<i32>} : memref<128x128xf32, #tpu.memory_space<vmem>>, vector<8x128xf32>,
    %slice3A_24 = vector.extract_strided_slice %add3A_9 {offsets = [0, 512], sizes = [8, 128], strides = [1, 1]} : vector<8x2048xf32> to vector<8x128xf32>
    %swap3A_25 = arith.constant 32 : index
    %swap3A_26 = arith.constant 0 : index
    %swap3A_27 = vector.load %arg4[%swap3A_25, %swap3A_26] : memref<128x128xf32, #tpu.memory_space<vmem>>, vector<8x128xf32>
    tpu.vector_store %arg4[%swap3A_25, %swap3A_26], %slice3A_24 {strides = array<i32>} : memref<128x128xf32, #tpu.memory_space<vmem>>, vector<8x128xf32>,
    %slice3A_28 = vector.extract_strided_slice %add3A_9 {offsets = [0, 640], sizes = [8, 128], strides = [1, 1]} : vector<8x2048xf32> to vector<8x128xf32>
    %swap3A_29 = arith.constant 40 : index
    %swap3A_30 = arith.constant 0 : index
    %swap3A_31 = vector.load %arg4[%swap3A_29, %swap3A_30] : memref<128x128xf32, #tpu.memory_space<vmem>>, vector<8x128xf32>
    tpu.vector_store %arg4[%swap3A_29, %swap3A_30], %slice3A_28 {strides = array<i32>} : memref<128x128xf32, #tpu.memory_space<vmem>>, vector<8x128xf32>,
    %slice3A_32 = vector.extract_strided_slice %add3A_9 {offsets = [0, 768], sizes = [8, 128], strides = [1, 1]} : vector<8x2048xf32> to vector<8x128xf32>
    %swap3A_33 = arith.constant 48 : index
    %swap3A_34 = arith.constant 0 : index
    %swap3A_35 = vector.load %arg4[%swap3A_33, %swap3A_34] : memref<128x128xf32, #tpu.memory_space<vmem>>, vector<8x128xf32>
    tpu.vector_store %arg4[%swap3A_33, %swap3A_34], %slice3A_32 {strides = array<i32>} : memref<128x128xf32, #tpu.memory_space<vmem>>, vector<8x128xf32>,
    %slice3A_36 = vector.extract_strided_slice %add3A_9 {offsets = [0, 896], sizes = [8, 128], strides = [1, 1]} : vector<8x2048xf32> to vector<8x128xf32>
    %swap3A_37 = arith.constant 56 : index
    %swap3A_38 = arith.constant 0 : index
    %swap3A_39 = vector.load %arg4[%swap3A_37, %swap3A_38] : memref<128x128xf32, #tpu.memory_space<vmem>>, vector<8x128xf32>
    tpu.vector_store %arg4[%swap3A_37, %swap3A_38], %slice3A_36 {strides = array<i32>} : memref<128x128xf32, #tpu.memory_space<vmem>>, vector<8x128xf32>,
    %slice3A_40 = vector.extract_strided_slice %add3A_9 {offsets = [0, 1024], sizes = [8, 128], strides = [1, 1]} : vector<8x2048xf32> to vector<8x128xf32>
    %swap3A_41 = arith.constant 64 : index
    %swap3A_42 = arith.constant 0 : index
    %swap3A_43 = vector.load %arg4[%swap3A_41, %swap3A_42] : memref<128x128xf32, #tpu.memory_space<vmem>>, vector<8x128xf32>
    tpu.vector_store %arg4[%swap3A_41, %swap3A_42], %slice3A_40 {strides = array<i32>} : memref<128x128xf32, #tpu.memory_space<vmem>>, vector<8x128xf32>,
    %slice3A_44 = vector.extract_strided_slice %add3A_9 {offsets = [0, 1152], sizes = [8, 128], strides = [1, 1]} : vector<8x2048xf32> to vector<8x128xf32>
    %swap3A_45 = arith.constant 72 : index
    %swap3A_46 = arith.constant 0 : index
    %swap3A_47 = vector.load %arg4[%swap3A_45, %swap3A_46] : memref<128x128xf32, #tpu.memory_space<vmem>>, vector<8x128xf32>
    tpu.vector_store %arg4[%swap3A_45, %swap3A_46], %slice3A_44 {strides = array<i32>} : memref<128x128xf32, #tpu.memory_space<vmem>>, vector<8x128xf32>,
    %slice3A_48 = vector.extract_strided_slice %add3A_9 {offsets = [0, 1280], sizes = [8, 128], strides = [1, 1]} : vector<8x2048xf32> to vector<8x128xf32>
    %swap3A_49 = arith.constant 80 : index
    %swap3A_50 = arith.constant 0 : index
    %swap3A_51 = vector.load %arg4[%swap3A_49, %swap3A_50] : memref<128x128xf32, #tpu.memory_space<vmem>>, vector<8x128xf32>
    tpu.vector_store %arg4[%swap3A_49, %swap3A_50], %slice3A_48 {strides = array<i32>} : memref<128x128xf32, #tpu.memory_space<vmem>>, vector<8x128xf32>,
    %slice3A_52 = vector.extract_strided_slice %add3A_9 {offsets = [0, 1408], sizes = [8, 128], strides = [1, 1]} : vector<8x2048xf32> to vector<8x128xf32>
    %swap3A_53 = arith.constant 88 : index
    %swap3A_54 = arith.constant 0 : index
    %swap3A_55 = vector.load %arg4[%swap3A_53, %swap3A_54] : memref<128x128xf32, #tpu.memory_space<vmem>>, vector<8x128xf32>
    tpu.vector_store %arg4[%swap3A_53, %swap3A_54], %slice3A_52 {strides = array<i32>} : memref<128x128xf32, #tpu.memory_space<vmem>>, vector<8x128xf32>,
    %slice3A_56 = vector.extract_strided_slice %add3A_9 {offsets = [0, 1536], sizes = [8, 128], strides = [1, 1]} : vector<8x2048xf32> to vector<8x128xf32>
    %swap3A_57 = arith.constant 96 : index
    %swap3A_58 = arith.constant 0 : index
    %swap3A_59 = vector.load %arg4[%swap3A_57, %swap3A_58] : memref<128x128xf32, #tpu.memory_space<vmem>>, vector<8x128xf32>
    tpu.vector_store %arg4[%swap3A_57, %swap3A_58], %slice3A_56 {strides = array<i32>} : memref<128x128xf32, #tpu.memory_space<vmem>>, vector<8x128xf32>,
    %slice3A_60 = vector.extract_strided_slice %add3A_9 {offsets = [0, 1664], sizes = [8, 128], strides = [1, 1]} : vector<8x2048xf32> to vector<8x128xf32>
    %swap3A_61 = arith.constant 104 : index
    %swap3A_62 = arith.constant 0 : index
    %swap3A_63 = vector.load %arg4[%swap3A_61, %swap3A_62] : memref<128x128xf32, #tpu.memory_space<vmem>>, vector<8x128xf32>
    tpu.vector_store %arg4[%swap3A_61, %swap3A_62], %slice3A_60 {strides = array<i32>} : memref<128x128xf32, #tpu.memory_space<vmem>>, vector<8x128xf32>,
    %slice3A_64 = vector.extract_strided_slice %add3A_9 {offsets = [0, 1792], sizes = [8, 128], strides = [1, 1]} : vector<8x2048xf32> to vector<8x128xf32>
    %swap3A_65 = arith.constant 112 : index
    %swap3A_66 = arith.constant 0 : index
    %swap3A_67 = vector.load %arg4[%swap3A_65, %swap3A_66] : memref<128x128xf32, #tpu.memory_space<vmem>>, vector<8x128xf32>
    tpu.vector_store %arg4[%swap3A_65, %swap3A_66], %slice3A_64 {strides = array<i32>} : memref<128x128xf32, #tpu.memory_space<vmem>>, vector<8x128xf32>,
    %slice3A_68 = vector.extract_strided_slice %add3A_9 {offsets = [0, 1920], sizes = [8, 128], strides = [1, 1]} : vector<8x2048xf32> to vector<8x128xf32>
    %swap3A_69 = arith.constant 120 : index
    %swap3A_70 = arith.constant 0 : index
    %swap3A_71 = vector.load %arg4[%swap3A_69, %swap3A_70] : memref<128x128xf32, #tpu.memory_space<vmem>>, vector<8x128xf32>
    tpu.vector_store %arg4[%swap3A_69, %swap3A_70], %slice3A_68 {strides = array<i32>} : memref<128x128xf32, #tpu.memory_space<vmem>>, vector<8x128xf32>,
    return
  }
  func.func @transform_0(%arg0: i32) -> (i32, i32) {
    %add3A = arith.constant 12 : i32
    %add3A_0 = arith.addi %arg0, %add3A : i32
    %c0_i32 = arith.constant 0 : i32
    %c0_i32_1 = arith.constant 0 : i32
    return %add3A_0, %c0_i32 : i32, i32
  }
  func.func @transform_1(%arg0: i32) -> (i32, i32) {
    %c0_i32 = arith.constant 0 : i32
    %c0_i32_0 = arith.constant 0 : i32
    %c0_i32_1 = arith.constant 0 : i32
    return %c0_i32, %c0_i32_0 : i32, i32
  }
  func.func @transform_2(%arg0: i32) -> (i32, i32) {
    %c0_i32 = arith.constant 0 : i32
    %c0_i32_0 = arith.constant 0 : i32
    %c0_i32_1 = arith.constant 0 : i32
    return %c0_i32, %c0_i32_0 : i32, i32
  }
  func.func @transform_3(%arg0: i32) -> (i32, i32) {
    %c0_i32 = arith.constant 0 : i32
    %c0_i32_0 = arith.constant 0 : i32
    return %arg0, %c0_i32 : i32, i32
  }
}

</mosaic_0001>

<sc_bundles>
// kernel: kernel.6.cloned.1.call-start
scs
__scs_entry_jumppad:
0x0: {  	(pc) =	sbr.rel $0x88, $3  }
0x1: {  	(tag) =	ssettag $0x0;
	lr =	simm.s32 $0x1  }
0x2: {  	[smem:$0x3F9E] =	sst lr;
	_ =	strace $0xD0000000  }
0x3: {  	_ = 	snop  }
0x4: {  	_ = 	snop  }
0x5: {  	_ = 	snop  }
0x6: {  	_ = 	snop  }
0x7: {  	_ = 	snop  }
__scs_overlays_trampoline_lowered:
0x8: {  	[smem:$0x3FAD] =	sst s0  }
0x9: {  	[smem:$0x3FAE] =	sst s1  }
0xa: {  	[smem:$0x3FAF] =	sst s2  }
0xb: {  	[smem:$0x3FB0] =	sst s3  }
0xc: {  	[smem:$0x3FB1] =	sst s4  }
0xd: {  	[smem:$0x3FB2] =	sst s5  }
0xe: {  	[smem:$0x3FB3] =	sst s6  }
0xf: {  	[smem:$0x3FB4] =	sst s7  }
0x10: {  	[smem:$0x3FB5] =	sst s8  }
0x11: {  	[smem:$0x3FB6] =	sst s9;
	s0 =	simm.s32 @!p0 $0x0  }
0x12: {  	s1 =	sld [smem:$0x3F9C];
	s0 =	simm.s32 @p0 $0x1  }
0x13: {  	[smem:$0x3FB7] =	sst s0;
	s0 =	simm.s32 @!p1 $0x0  }
0x14: {  	s2 =	sld [smem:$0x3F9B];
	s0 =	simm.s32 @p1 $0x1  }
0x15: {  	[smem:$0x3FB8] =	sst s0;
	s0 =	simm.s32 @!p2 $0x0  }
0x16: {  	s3 =	sld [smem:$0x3FDB];
	s0 =	simm.s32 @p2 $0x1  }
0x17: {  	s4 =	simm.s32 $0x1BF5;
	[smem:$0x3FBA] =	sst s0  }
0x18: {  	s0 =	sld [smem:$0x3F9D];
	_ =	swait.ge [sflag:s4], $0x0  }
0x19: {  	s7 =	sld [smem:$0x3F9E]  }
0x1a: {  	s8 =	sadd.s32 $0xFFFFE003, lr  }
0x1b: {  	s9 =	sadd.s32 $0xFFFFFEF7, lr;
	s5 =	simm.s32 $0xFFFFFFFF;
	p2 =	slt.u32 s8, $0xFFFFF086  }
0x1c: {  	p1 =	slt.u32 s9, $0xF7A;
	s5 =	simm.s32 @!p2 $0x0  }
0x1d: {  	s5 =	simm.s32 @p1 $0x1;
	p0 =	seq.s32 s7, s2  }
0x1e: {  	s7 =	smul.u32 @!p0 $0xF7A, s2;
	p2 =	seq.s32 @!p0 s5, $0x0  }
0x1f: {  	s9 =	smul.u32 $0xF7A, s1;
	s8 =	simm.s32 @!p0 $0x1BF5;
	p2 =	por !p2, p0  }
0x20: {  	[sflag:s8] =	ssyncset.s32 @!p0 $0xFFFFF086;
	s6 =	sadd.s32 @!p0 s3, s7;
	s7 =	simm.s32 @!p0 $0x108  }
0x21: {  	s3 =	sadd.s32 s3, s9;
	s6 =	sadd.s32 @!p0 $0x88, s6;
	s7 =	simm.s32 @p2 $0x1082  }
0x22: {  	[simem:s7], [sflag:s8] =	dma.local @!p0 [hbm:s6], $0xF7A  }
0x23: {  	s9 =	sor.u32 $0xD0000000, s2;
	s6 =	simm.s32 $0x108;
	_ =	swait.ge @!p0 [sflag:s8], $0x0  }
0x24: {  	s3 =	sadd.s32 $0x88, s3;
	s6 =	simm.s32 @!p1 $0x1082;
	[sflag:s4] =	ssyncset.s32 $0xFFFFF086  }
0x25: {  	[simem:s6], [sflag:s4] =	dma.local [hbm:s3], $0xF7A  }
0x26: {  	[smem:$0x3F9E] =	sst s1;
	(tag) =	ssettag s2;
	_ =	strace s9  }
0x27: {  	s1 =	sld [smem:$0x3FAE]  }
0x28: {  	s2 =	sld [smem:$0x3FAF]  }
0x29: {  	s4 =	sld [smem:$0x3FB1]  }
0x2a: {  	p0 =	seq.s32 s5, $0x0;
	s5 =	sld [smem:$0x3FB2]  }
0x2b: {  	s6 =	sld [smem:$0x3FB3]  }
0x2c: {  	s7 =	sld [smem:$0x3FB4]  }
0x2d: {  	s3 =	simm.s32 $0x108;
	s8 =	sld [smem:$0x3FB5]  }
0x2e: {  	s3 =	simm.s32 @!p0 $0x1082;
	s9 =	sld [smem:$0x3FB6]  }
0x2f: {  	lr =	sadd.s32 s0, s3;
	s0 =	sld [smem:$0x3FAD]  }
0x30: {  	s3 =	sld [smem:$0x3FB0]  }
0x31: {  	[smem:$0x3FB9] =	sst s10  }
0x32: {  	s10 =	sld [smem:$0x3FB7];
	_ =	sdelay $0x3  }
0x33: {  	p0 =	seq.s32 s10, $0x1;
	s10 =	sld [smem:$0x3FB9];
	_ =	sdelay $0x3  }
0x34: {  	[smem:$0x3FB9] =	sst s10  }
0x35: {  	s10 =	sld [smem:$0x3FB8];
	_ =	sdelay $0x3  }
0x36: {  	p1 =	seq.s32 s10, $0x1;
	s10 =	sld [smem:$0x3FB9];
	_ =	sdelay $0x3  }
0x37: {  	[smem:$0x3FB9] =	sst s10  }
0x38: {  	s10 =	sld [smem:$0x3FBA]  }
0x39: {  	_ = 	snop;
	(pc) =	sbr.ind lr, $3  }
0x3a: {  	_ = 	snop  }
0x3b: {  	_ = 	snop  }
0x3c: {  	p2 =	seq.s32 s10, $0x1;
	s10 =	sld [smem:$0x3FB9]  }
0x3d: {  	_ =	shalt  }
0x3e: {  	_ =	shalt  }
0x3f: {  	_ =	shalt  }
0x40: {  	_ =	shalt  }
0x41: {  	_ =	shalt  }
0x42: {  	_ =	shalt  }
0x43: {  	_ =	shalt  }
0x44: {  	_ =	shalt  }
0x45: {  	_ =	shalt  }
0x46: {  	_ =	shalt  }
0x47: {  	_ =	shalt  }
0x48: {  	_ =	shalt  }
0x49: {  	_ =	shalt  }
0x4a: {  	_ =	shalt  }
0x4b: {  	_ =	shalt  }
0x4c: {  	_ =	shalt  }
0x4d: {  	_ =	shalt  }
0x4e: {  	_ =	shalt  }
0x4f: {  	_ =	shalt  }
0x50: {  	_ =	shalt  }
0x51: {  	_ =	shalt  }
0x52: {  	_ =	shalt  }
0x53: {  	_ =	shalt  }
0x54: {  	_ =	shalt  }
0x55: {  	_ =	shalt  }
0x56: {  	_ =	shalt  }
0x57: {  	_ =	shalt  }
0x58: {  	_ =	shalt  }
0x59: {  	_ =	shalt  }
0x5a: {  	_ =	shalt  }
0x5b: {  	_ =	shalt  }
0x5c: {  	_ =	shalt  }
0x5d: {  	_ =	shalt  }
0x5e: {  	_ =	shalt  }
0x5f: {  	_ =	shalt  }
0x60: {  	_ =	shalt  }
0x61: {  	_ =	shalt  }
0x62: {  	_ =	shalt  }
0x63: {  	_ =	shalt  }
0x64: {  	_ =	shalt  }
0x65: {  	_ =	shalt  }
0x66: {  	_ =	shalt  }
0x67: {  	_ =	shalt  }
0x68: {  	_ =	shalt  }
0x69: {  	_ =	shalt  }
0x6a: {  	_ =	shalt  }
0x6b: {  	_ =	shalt  }
0x6c: {  	_ =	shalt  }
0x6d: {  	_ =	shalt  }
0x6e: {  	_ =	shalt  }
0x6f: {  	_ =	shalt  }
0x70: {  	_ =	shalt  }
0x71: {  	_ =	shalt  }
0x72: {  	_ =	shalt  }
0x73: {  	_ =	shalt  }
0x74: {  	_ =	shalt  }
0x75: {  	_ =	shalt  }
0x76: {  	_ =	shalt  }
0x77: {  	_ =	shalt  }
0x78: {  	_ =	shalt  }
0x79: {  	_ =	shalt  }
0x7a: {  	_ =	shalt  }
0x7b: {  	_ =	shalt  }
0x7c: {  	_ =	shalt  }
0x7d: {  	_ =	shalt  }
0x7e: {  	_ =	shalt  }
0x7f: {  	_ =	shalt  }
0x80: {  	_ =	shalt  }
0x81: {  	_ =	shalt  }
0x82: {  	_ =	shalt  }
0x83: {  	_ =	shalt  }
0x84: {  	_ =	shalt  }
0x85: {  	_ =	shalt  }
0x86: {  	_ =	shalt  }
0x87: {  	_ =	shalt  }
.Lfunc_end0:
.L_simem_size_0:
called_computation_lowered:
.L_overlay_start_0:
0x88: {  	s2 =	sld [smem:$0x3FD9]  }
0x89: {  	s3 =	sld [smem:$0x3FFE];
	_ =	sdelay $0x1  }
0x8a: {  	s1 =	srdreg.scid  }
0x8b: {  	s0 =	sand.u32 $0x1, s1  }
0x8c: {  	s14 =	sshll.u32 s0, $0xA;
	s2 =	sadd.s32 s3, s2  }
0x8d: {  	s2 =	sadd.s32 s2, s14  }
0x8e: {  	[smem:$0x3FC5] =	sst s2  }
0x8f: {  	_ = 	snop  }
0x90: {  	s2 =	sld [smem:$0x3FD0];
	_ =	sdelay $0x2  }
0x91: {  	s15 =	simm.s32 $0xB;
	s4 =	simm.s32 $0x10  }
0x92: {  	[smem:s4], [sflag:s15] =	dma.local [hbm:s2], $0x1  }
0x93: {  	_ =	swait.eq [sflag:s15], $0x1  }
0x94: {  	[sflag:s15] =	ssyncset.done $0x0  }
0x95: {  	[sflag:s15] =	ssyncadd.s32 $0xFFFFFFFF  }
0x96: {  	s16 =	sld [smem:$0x10];
	(tm) =	ssettm $0x1  }
0x97: {  	s17 =	sld [smem:$0x3FFB];
	_ =	sdelay $0x3  }
0x98: {  	_ =	strace s17  }
0x99: {  	s3 =	sld [smem:$0x3FFC];
	_ =	sdelay $0x3  }
0x9a: {  	_ =	strace s3  }
0x9b: {  	s3 =	sld [smem:$0x3FFD];
	_ =	sdelay $0x3  }
0x9c: {  	_ =	strace s3  }
0x9d: {  	_ =	strace $0x8FFFFFFF  }
0x9e: {  	s18 =	sld [smem:$0x3FDB];
	_ =	sdelay $0x1  }
0x9f: {  	s19 =	simm.s32 $_scs_section_size  }
0xa0: {  	s5 =	simm.s32 $_size__tile_overlayer_lowered;
	s6 =	simm.s32 $_tile_overlayer_lowered  }
0xa1: {  	s22 =	simm.s32 $0x1BFF;
	s21 =	sshll.u32 s6, $0x1;
	s3 =	sadd.s32 s19, s18  }
0xa2: {  	s7 =	simm.s32 $0x0;
	s20 =	sshll.u32 s5, $0x1;
	s5 =	sadd.s32 s21, s3  }
0xa3: {  	[timem:s7], [sflag:s22] =	dma.local [hbm:s5], s20  }
0xa4: {  	_ =	swait.ge [sflag:s22], s20  }
0xa5: {  	s4 =	ssub.s32 $0x0, s20;
	[sflag:s22] =	ssyncset.done $0x0  }
0xa6: {  	[sflag:s22] =	ssyncadd.s32 s4;
	_ =	sdelay $0x1  }
0xa7: {  	s23 =	simm.s32 $0x1B8B  }
0xa8: {  	_ =	swait.ge [sflag:s23], $0x1  }
0xa9: {  	[sflag:s23] =	ssyncset.done $0x0  }
0xaa: {  	s25 =	simm.s32 $0x1B8E;
	s24 =	sld [smem:$0x3FFE];
	[sflag:s23] =	ssyncadd.s32 $0xFFFFFFFF  }
0xab: {  	s26 =	simm.s32 $execute0_lowered;
	[smem:$0x3FD2] =	sst s25  }
0xac: {  	s5 =	sshll.u32 s26, $0x1;
	_ =	strace $0x80000046;
	[dreg:$0x1] =	wrdreg $0xFFFFFFFF  }
0xad: {  	s28 =	simm.s32 $_size_execute0_lowered;
	s3 =	sadd.s32 s3, s5;
	[dreg:$0x0] =	wrdreg $0x0  }
0xae: {  	s5 =	sshll.u32 s28, $0x1;
	[dreg:$0x2] =	wrdreg s3  }
0xaf: {  	[dreg:$0x3] =	wrdreg s5  }
0xb0: {  	[dreg:$0x4] =	wrdreg $0xC0  }
0xb1: {  	_ =	task [dreg:s7], $0x5FFFF  }
0xb2: {  	[dreg:$0x1] =	wrdreg $0xFFFFFFFF  }
0xb3: {  	[dreg:$0x0] =	wrdreg $0x60  }
0xb4: {  	[dreg:$0x2] =	wrdreg s24  }
0xb5: {  	[dreg:$0x3] =	wrdreg s16  }
0xb6: {  	[dreg:$0x4] =	wrdreg $0x9  }
0xb7: {  	_ =	task.clear_ibuf [dreg:s7], $0x5FFFF;
	_ =	strace $0x90000046  }
0xb8: {  	s29 =	simm.s32 $0x9;
	_ =	strace $0x80000048  }
0xb9: {  	_ =	swait.ge [sflag:s29], $0x1  }
0xba: {  	[sflag:s29] =	ssyncadd.s32 $0xFFFFFFFF  }
0xbb: {  	_ =	strace $0x90000048  }
0xbc: {  	_ =	sfence  }
0xbd: {  	s30 =	sld [smem:$0x0];
	_ =	sdelay $0x2  }
0xbe: {  	s31 =	sshll.u32 s1, $0xD;
	s1 =	sshrl.u32 s1, $0x2  }
0xbf: {  	s3 =	sand.u32 $0x4000, s31;
	s1 =	sadd.s32 s1, s30  }
0xc0: {  	s0 =	sor.u32 s3, s0;
	s1 =	sshll.u32 s1, $0x11  }
0xc1: {  	s0 =	sor.u32 s1, s0  }
0xc2: {  	s0 =	sadd.s32 $0x8F2B, s0  }
0xc3: {  	[sflag:s0] =	ssyncadd.remote.s32 $0x1  }
0xc4: {  	_ =	sfence.sel $0xFFFF  }
0xc5: {  	[dreg:$0x0] =	wrdreg $0xFFFFFFFF;
	(pc) =	sbr.abs _section_cstart, $3  }
0xc6: {  	[dreg:$0x1] =	wrdreg $0xFFFFFFFF  }
0xc7: {  	_ =	task.clear_ibuf [dreg:s7], $0x2FFFF;
	_ =	strace $0x9FFFFFFF  }
0xc8: {  	(tm) =	ssettm $0x7FFFFFFF  }
0xc9: {  	_ =	shalt  }
tec
execute0_lowered:
.L_overlay_start_1:
0x0: {  	(tag) =	ssettag $0x1  }
0x1: {  	s1 =	srdreg.scid;
	s0 =	stileid.u32  }
0x2: {  	s3 =	rddreg [dreg:$0x0];
	s4 =	sand.u32 $0x1, s1;
	s30 =	sshll.u32 s0, $0x1  }
0x3: {  	s5 =	rddreg [dreg:$0x1];
	s2 =	simm.s32 $0x0;
	s6 =	sor.u32 s4, s30  }
0x4: {  	s10 =	simm.s32 $0x0;
	s4 =	ssub.s32 $0x2, s4;
	s7 =	smul.u32 $0x300, s6  }
0x5: {  	[smem:$0x7FF] =	sst s2;
	s6 =	smul.u32 $0xC0, s6;
	s31 =	sshrl.u32 s4, $0x1  }
0x6: {  	s1 =	rddreg [dreg:$0x2];
	_ =	strace $0x80000047;
	s9 =	ssub.s32 s4, s31  }
0x7: {  	s7 =	sadd.s32 s7, s3;
	s8 =	sadd.s32 s6, s3;
	s5 =	sadd.s32 s5, s6  }
0x8: {  	s6 =	smax.u32 s9, $0x1;
	s9 =	simm.s32 $0x1E00;
	s3 =	sadd.s32 $0x1600, s7  }
0x9: {  	v0 =	vimm.s32 $0x0;
	s4 =	sadd.s32 $0x7600, s8;
	s7 =	simm.s32 $0x1;
	s8 =	simm.s32 $0x1800  }
.LBB2_1:
0xa: {  	[tilespmem:s2], [sflag:$0x1] =	stream.linear.gather [hbm4b:s3+s2], $0x1800, $0x38;
	[tilespmem:$0x2400] =	vst v63  }
0xb: {  	s12 =	sand.u32 $0x7000, s2;
	_ =	swait.ge [sflag:s7], $0x1800  }
0xc: {  	s11 =	sand.u32 $0x70, s2;
	s12 =	sshrl.u32 s12, $0x2;
	[sflag:s7] =	ssyncset.done $0x0  }
0xd: {  	s12 =	sor.u32 s11, s12;
	[sflag:s7] =	ssyncadd.s32 $0xFFFFE800  }
0xe: {  	v1 =	vld [tilespmem:s12+$0x0]  }
0xf: {  	v2 =	vld [tilespmem:s12+$0x80];
	_ =	sdelay $0x2  }
0x10: {  	v3 =	vld [tilespmem:s12+$0x100];
	_ =	sdelay $0x1  }
0x11: {  	v4 =	vld [tilespmem:s12+$0x180];
	vm6 =	vgt.f32 v2, v1  }
0x12: {  	vm7 =	vmneg vm6  }
0x13: {  	v5 =	vld [tilespmem:s12+$0x200];
	v6 =	vsel vm7, v1, v2  }
0x14: {  	vm5 =	vgt.f32 v3, v6  }
0x15: {  	v7 =	vld [tilespmem:s12+$0x280];
	v8 =	vsel vm5, v3, v6  }
0x16: {  	vm1 =	vgt.f32 v4, v8  }
0x17: {  	s30 =	sor.u32 s2, s2;
	v9 =	vld [tilespmem:s12+$0x300];
	v10 =	vsel vm1, v4, v8  }
0x18: {  	s12 =	sor.u32 $0x380, s30;
	vm2 =	vgt.f32 v5, v10  }
0x19: {  	v11 =	vld [tilespmem:s12+$0x0];
	vm0 =	vlt.f32 v2, $-Inf;
	vm3 =	vgt.f32 v2, $-Inf;
	v12 =	vsel vm2, v5, v10  }
0x1a: {  	vm11 =	vmor vm3, vm0;
	vm3 =	vgt.f32 v7, v12  }
0x1b: {  	v14 =	vsel vm3, v7, v12  }
0x1c: {  	v13 =	vnsel vm11, $0xFF800000, v2;
	vm4 =	vgt.f32 v9, v14  }
0x1d: {  	v13 =	vsel vm7, v13, v1;
	v15 =	vsel vm4, v9, v14  }
0x1e: {  	vm9 =	vgt.f32 v3, v13;
	vm0 =	vgt.f32 v11, v15  }
0x1f: {  	v13 =	vsel vm9, v3, v13;
	v51 =	vsel vm0, v11, v15  }
0x20: {  	v6 =	vsel vm5, v6, v13;
	v1 =	vsub.f32 v1, v51  }
0x21: {  	vm8 =	vgt.f32 v4, v6;
	v2 =	vsub.f32 v2, v51  }
0x22: {  	v6 =	vsel vm8, v4, v6;
	v3 =	vsub.f32 v3, v51;
	v1 =	vmul.f32 $1.442695020e+00, v1  }
0x23: {  	v6 =	vsel vm1, v8, v6;
	v2 =	vmul.f32 $1.442695020e+00, v2  }
0x24: {  	vm10 =	vgt.f32 v5, v6;
	v3 =	vmul.f32 $1.442695020e+00, v3;
	(erf) = vpow2.f32 v1  }
0x25: {  	v1 =	vsel vm10, v5, v6;
	(erf) = vpow2.f32 v2;
	v2 =	vsub.f32 v4, v51  }
0x26: {  	v1 =	vsel vm2, v10, v1;
	(erf) = vpow2.f32 v3  }
0x27: {  	vm12 =	vgt.f32 v7, v1;
	v3 =	vsub.f32 v5, v51;
	v2 =	vmul.f32 $1.442695020e+00, v2  }
0x28: {  	v52 =	vsub.f32 v7, v51;
	v1 =	vsel vm12, v7, v1  }
0x29: {  	v1 =	vsel vm3, v12, v1;
	(erf) = vpow2.f32 v2;
	v2 =	vmul.f32 $1.442695020e+00, v3  }
0x2a: {  	v55 =	vsel vm6, $0x1, v0;
	vm14 =	vgt.f32 v9, v1  }
0x2b: {  	vm7 =	vmand vm7, vm11;
	v3 =	vmul.f32 $1.442695020e+00, v52;
	v1 =	vsel vm14, v9, v1  }
0x2c: {  	v53 =	vsub.f32 v9, v51;
	v1 =	vsel vm4, v14, v1;
	(erf) = vpow2.f32 v2  }
0x2d: {  	vm13 =	vgt.f32 v11, v1;
	(erf) = vpow2.f32 v3;
	v3 =	vsub.f32 v11, v51;
	v2 =	vpop (erf)  }
0x2e: {  	v56 =	vsel vm7, $0x1, v0;
	v4 =	vmul.f32 $1.442695020e+00, v53;
	v1 =	vsel vm13, v11, v1;
	v54 =	vpop (erf)  }
0x2f: {  	v1 =	vsel vm0, v15, v1;
	v3 =	vmul.f32 $1.442695020e+00, v3;
	v2 =	vadd.f32 v54, v2  }
0x30: {  	v5 =	vsel vm9, $0x2, v56;
	(erf) = vpow2.f32 v4;
	v1 =	vsub.f32 v1, v51;
	v57 =	vpop (erf)  }
0x31: {  	(erf) = vpow2.f32 v3;
	v3 =	vsel vm5, v55, v5;
	v2 =	vadd.f32 v2, v57  }
0x32: {  	v4 =	vsel vm5, $0x2, v55;
	v1 =	vmul.f32 $1.442695020e+00, v1;
	v3 =	vsel vm8, $0x3, v3;
	v58 =	vpop (erf)  }
0x33: {  	v3 =	vsel vm1, v4, v3;
	v2 =	vadd.f32 v2, v58  }
0x34: {  	(erf) = vpow2.f32 v1;
	v1 =	vsel vm1, $0x3, v4;
	v3 =	vsel vm10, $0x4, v3  }
0x35: {  	v59 =	vpop (erf);
	v3 =	vsel vm2, v1, v3  }
0x36: {  	v1 =	vsel vm2, $0x4, v1;
	v2 =	vadd.f32 v2, v59;
	v3 =	vsel vm12, $0x5, v3  }
0x37: {  	v60 =	vpop (erf);
	v3 =	vsel vm3, v1, v3  }
0x38: {  	v2 =	vadd.f32 v2, v60;
	v3 =	vsel vm14, $0x6, v3  }
0x39: {  	v61 =	vpop (erf)  }
0x3a: {  	v1 =	vsel vm3, $0x5, v1;
	v2 =	vadd.f32 v2, v61  }
0x3b: {  	v62 =	vsel vm4, $0x6, v1;
	v1 =	vsel vm4, v1, v3;
	v3 =	vpop (erf)  }
0x3c: {  	v2 =	vadd.f32 v2, v3;
	_ =	sdelay $0x1  }
0x3d: {  	(erf) = vrcp.f32 v2;
	_ =	sdelay $0x2  }
0x3e: {  	v1 =	vsel vm13, $0x7, v1  }
0x3f: {  	s31 =	sand.u32 $0x700, s2;
	v1 =	vsel vm0, v62, v1  }
0x40: {  	s17 =	sor.u32 s11, s31;
	v63 =	vsel vm0, $0x7, v62  }
0x41: {  	s14 =	simm.s32 $0x200;
	s16 =	simm.s32 $0x400;
	[tilespmem:s17+$0x1800] =	vst v63  }
0x42: {  	s13 =	simm.s32 $0x10;
	s11 =	simm.s32 $0x0;
	s12 =	simm.s32 $0x80;
	[tilespmem:s17+$0x1880] =	vst v1;
	v1 =	vpop (erf)  }
.LBB2_2:
0x43: {  	s18 =	sand.u32 $0x7000, s14  }
0x44: {  	s11 =	sadd.s32 $0x20, s11;
	v2 =	vpop (erf);
	s14 =	smov.u32 s16;
	s15 =	sadd.s32 $0x200, s16  }
0x45: {  	p0 =	sne.s32 s16, $0x5E00;
	s16 =	sand.u32 $0x70, s13;
	s18 =	sshrl.u32 s18, $0x2;
	[tilespmem:s17+$0x1E00] =	vst v2;
	v1 =	vmul.f32 v2, v1  }
0x46: {  	s18 =	sor.u32 s16, s18  }
0x47: {  	[tilespmem:s17+$0x1E80] =	vst v1  }
0x48: {  	v1 =	vld [tilespmem:s18+$0x0]  }
0x49: {  	v2 =	vld [tilespmem:s18+$0x80];
	_ =	sdelay $0x2  }
0x4a: {  	v3 =	vld [tilespmem:s18+$0x100];
	_ =	sdelay $0x1  }
0x4b: {  	v4 =	vld [tilespmem:s18+$0x180];
	vm0 =	vgt.f32 v2, v1;
	vm1 =	vlt.f32 v2, $-Inf;
	vm2 =	vgt.f32 v2, $-Inf  }
0x4c: {  	vm3 =	vmneg vm0;
	vm1 =	vmor vm2, vm1  }
0x4d: {  	v5 =	vld [tilespmem:s18+$0x200];
	v6 =	vnsel vm1, $0xFF800000, v2;
	vm1 =	vmand vm3, vm1;
	v7 =	vsel vm3, v1, v2  }
0x4e: {  	v8 =	vsel vm0, $0x1, v0;
	v6 =	vsel vm3, v6, v1;
	vm0 =	vgt.f32 v3, v7  }
0x4f: {  	v10 =	vsel vm1, $0x1, v0;
	v9 =	vld [tilespmem:s18+$0x280];
	vm1 =	vgt.f32 v3, v6;
	v11 =	vsel vm0, v3, v7  }
0x50: {  	v6 =	vsel vm1, v3, v6;
	v10 =	vsel vm1, $0x2, v10;
	vm1 =	vgt.f32 v4, v11  }
0x51: {  	s17 =	sor.u32 s12, s13;
	v12 =	vld [tilespmem:s18+$0x300];
	v6 =	vsel vm0, v7, v6;
	v7 =	vsel vm0, v8, v10;
	v10 =	vsel vm1, v4, v11  }
0x52: {  	s17 =	sor.u32 $0x380, s17;
	v8 =	vsel vm0, $0x2, v8;
	vm0 =	vgt.f32 v4, v6;
	vm3 =	vgt.f32 v5, v10  }
0x53: {  	v13 =	vld [tilespmem:s17+$0x0];
	v6 =	vsel vm0, v4, v6;
	v7 =	vsel vm0, $0x3, v7;
	v14 =	vsel vm3, v5, v10  }
0x54: {  	v6 =	vsel vm1, v11, v6;
	v11 =	vsel vm1, $0x3, v8;
	vm2 =	vgt.f32 v9, v14  }
0x55: {  	v7 =	vsel vm1, v8, v7;
	vm0 =	vgt.f32 v5, v6;
	v8 =	vsel vm2, v9, v14  }
0x56: {  	v6 =	vsel vm0, v5, v6;
	v7 =	vsel vm0, $0x4, v7;
	vm1 =	vgt.f32 v12, v8  }
0x57: {  	v6 =	vsel vm3, v10, v6;
	v7 =	vsel vm3, v11, v7;
	v10 =	vsel vm1, v12, v8  }
0x58: {  	v11 =	vsel vm3, $0x4, v11;
	vm3 =	vgt.f32 v9, v6;
	vm0 =	vgt.f32 v13, v10  }
0x59: {  	v6 =	vsel vm3, v9, v6;
	v7 =	vsel vm3, $0x5, v7;
	v15 =	vsel vm0, v13, v10  }
0x5a: {  	v6 =	vsel vm2, v14, v6;
	v1 =	vsub.f32 v1, v15;
	v4 =	vsub.f32 v4, v15  }
0x5b: {  	v2 =	vsub.f32 v2, v15;
	v3 =	vsub.f32 v3, v15;
	vm3 =	vgt.f32 v12, v6  }
0x5c: {  	v14 =	vsel vm2, $0x5, v11;
	v1 =	vmul.f32 $1.442695020e+00, v1;
	v4 =	vmul.f32 $1.442695020e+00, v4  }
0x5d: {  	v9 =	vsub.f32 v9, v15;
	v2 =	vmul.f32 $1.442695020e+00, v2;
	v3 =	vmul.f32 $1.442695020e+00, v3  }
0x5e: {  	v5 =	vsub.f32 v5, v15;
	v16 =	vsub.f32 v12, v15;
	(erf) = vpow2.f32 v1  }
0x5f: {  	v1 =	vmul.f32 $1.442695020e+00, v9;
	v9 =	vsub.f32 v13, v15;
	(erf) = vpow2.f32 v2  }
0x60: {  	v5 =	vmul.f32 $1.442695020e+00, v5;
	v2 =	vsel vm2, v11, v7;
	v7 =	vmul.f32 $1.442695020e+00, v16  }
0x61: {  	v6 =	vsel vm3, v12, v6;
	v9 =	vmul.f32 $1.442695020e+00, v9;
	(erf) = vpow2.f32 v3  }
0x62: {  	v2 =	vsel vm3, $0x6, v2;
	v3 =	vsel vm1, v8, v6  }
0x63: {  	v6 =	vsel vm1, $0x6, v14;
	vm2 =	vgt.f32 v13, v3;
	(erf) = vpow2.f32 v4  }
0x64: {  	s17 =	sand.u32 $0x700, s11;
	v2 =	vsel vm1, v14, v2;
	v3 =	vsel vm2, v13, v3  }
0x65: {  	s17 =	sor.u32 s16, s17;
	v8 =	vsel vm0, $0x7, v6;
	v3 =	vsel vm0, v10, v3;
	(erf) = vpow2.f32 v5  }
0x66: {  	v10 =	vsel vm2, $0x7, v2;
	v3 =	vsub.f32 v3, v15;
	[tilespmem:s17+$0x1800] =	vst v8  }
0x67: {  	v5 =	vsel vm0, v6, v10;
	v4 =	vpop (erf);
	(erf) = vpow2.f32 v1  }
0x68: {  	v1 =	vmul.f32 $1.442695020e+00, v3;
	[tilespmem:s17+$0x1880] =	vst v5;
	v2 =	vpop (erf)  }
0x69: {  	v2 =	vadd.f32 v2, v4;
	(erf) = vpow2.f32 v7  }
0x6a: {  	v3 =	vpop (erf)  }
0x6b: {  	v2 =	vadd.f32 v2, v3;
	(erf) = vpow2.f32 v9  }
0x6c: {  	v3 =	vpop (erf)  }
0x6d: {  	v2 =	vadd.f32 v2, v3  }
0x6e: {  	v3 =	vpop (erf)  }
0x6f: {  	v2 =	vadd.f32 v2, v3  }
0x70: {  	v3 =	vpop (erf)  }
0x71: {  	v2 =	vadd.f32 v2, v3  }
0x72: {  	v3 =	vpop (erf)  }
0x73: {  	v2 =	vadd.f32 v2, v3  }
0x74: {  	v3 =	vpop (erf)  }
0x75: {  	v2 =	vadd.f32 v2, v3  }
0x76: {  	(erf) = vpow2.f32 v1  }
0x77: {  	(erf) = vrcp.f32 v2;
	_ =	sdelay $0x3  }
.Ltmp0:
0x78: {  	(pc) =	sbr.rel @p0 .LBB2_2-.Ltmp0, $2  }
0x79: {  	_ =	sdelay $0x2  }
0x7a: {  	s12 =	sadd.s32 $0x80, s12;
	s13 =	sadd.s32 $0x10, s13;
	s16 =	smov.u32 s15;
	v1 =	vpop (erf)  }
0x7b: {  	v2 =	vpop (erf)  }
0x7c: {  	s15 =	sand.u32 $0x7000, s14;
	v1 =	vmul.f32 v2, v1  }
0x7d: {  	s31 =	sand.u32 $0x70, s13;
	s15 =	sshrl.u32 s15, $0x2;
	[tilespmem:s17+$0x1E00] =	vst v2  }
0x7e: {  	s15 =	sor.u32 s31, s15;
	[tilespmem:s17+$0x1E80] =	vst v1  }
0x7f: {  	v1 =	vld [tilespmem:s15+$0x0]  }
0x80: {  	v2 =	vld [tilespmem:s15+$0x80];
	_ =	sdelay $0x2  }
0x81: {  	v3 =	vld [tilespmem:s15+$0x100];
	_ =	sdelay $0x1  }
0x82: {  	v4 =	vld [tilespmem:s15+$0x180];
	vm4 =	vgt.f32 v2, v1  }
0x83: {  	vm7 =	vmneg vm4  }
0x84: {  	v5 =	vld [tilespmem:s15+$0x200];
	v6 =	vsel vm7, v1, v2  }
0x85: {  	vm3 =	vgt.f32 v3, v6  }
0x86: {  	v7 =	vld [tilespmem:s15+$0x280];
	v8 =	vsel vm3, v3, v6  }
0x87: {  	vm1 =	vgt.f32 v4, v8  }
0x88: {  	s12 =	sor.u32 s12, s13;
	v9 =	vld [tilespmem:s15+$0x300];
	v10 =	vsel vm1, v4, v8  }
0x89: {  	s12 =	sor.u32 $0x380, s12;
	vm5 =	vgt.f32 v5, v10  }
0x8a: {  	v11 =	vld [tilespmem:s12+$0x0];
	v12 =	vsel vm5, v5, v10  }
0x8b: {  	vm6 =	vgt.f32 v7, v12  }
0x8c: {  	v13 =	vsel vm6, v7, v12  }
0x8d: {  	vm2 =	vgt.f32 v9, v13  }
0x8e: {  	v14 =	vsel vm2, v9, v13  }
0x8f: {  	vm8 =	vlt.f32 v2, $-Inf;
	vm9 =	vgt.f32 v2, $-Inf;
	vm0 =	vgt.f32 v11, v14  }
0x90: {  	vm8 =	vmor vm9, vm8;
	v15 =	vsel vm0, v11, v14  }
0x91: {  	v17 =	vnsel vm8, $0xFF800000, v2;
	v16 =	vsub.f32 v1, v15  }
0x92: {  	v2 =	vsub.f32 v2, v15;
	v1 =	vsel vm7, v17, v1  }
0x93: {  	vm9 =	vgt.f32 v3, v1;
	v16 =	vmul.f32 $1.442695020e+00, v16  }
0x94: {  	v2 =	vmul.f32 $1.442695020e+00, v2;
	v1 =	vsel vm9, v3, v1;
	v3 =	vsub.f32 v3, v15  }
0x95: {  	(erf) = vpow2.f32 v16  }
0x96: {  	v3 =	vmul.f32 $1.442695020e+00, v3;
	(erf) = vpow2.f32 v2  }
0x97: {  	v2 =	vsub.f32 v4, v15  }
0x98: {  	v57 =	vsub.f32 v5, v15;
	v1 =	vsel vm3, v6, v1;
	(erf) = vpow2.f32 v3  }
0x99: {  	vm10 =	vgt.f32 v4, v1;
	v3 =	vsub.f32 v7, v15;
	v2 =	vmul.f32 $1.442695020e+00, v2  }
0x9a: {  	v1 =	vsel vm10, v4, v1;
	v4 =	vmul.f32 $1.442695020e+00, v57  }
0x9b: {  	v3 =	vmul.f32 $1.442695020e+00, v3;
	(erf) = vpow2.f32 v2  }
0x9c: {  	v1 =	vsel vm1, v8, v1;
	v2 =	vsub.f32 v9, v15  }
0x9d: {  	vm11 =	vgt.f32 v5, v1;
	(erf) = vpow2.f32 v4  }
0x9e: {  	v59 =	vsub.f32 v11, v15;
	v1 =	vsel vm11, v5, v1;
	v2 =	vmul.f32 $1.442695020e+00, v2;
	v58 =	vpop (erf)  }
0x9f: {  	v1 =	vsel vm5, v10, v1;
	(erf) = vpow2.f32 v3;
	v3 =	vpop (erf)  }
0xa0: {  	(erf) = vpow2.f32 v2;
	v2 =	vmul.f32 $1.442695020e+00, v59;
	v3 =	vadd.f32 v3, v58  }
0xa1: {  	vm12 =	vgt.f32 v7, v1;
	v60 =	vpop (erf)  }
0xa2: {  	v1 =	vsel vm12, v7, v1;
	v3 =	vadd.f32 v3, v60  }
0xa3: {  	v1 =	vsel vm6, v12, v1;
	(erf) = vpow2.f32 v2  }
0xa4: {  	vm13 =	vgt.f32 v9, v1;
	v2 =	vpop (erf)  }
0xa5: {  	v1 =	vsel vm13, v9, v1;
	v2 =	vadd.f32 v3, v2  }
0xa6: {  	v1 =	vsel vm2, v13, v1;
	v3 =	vpop (erf)  }
0xa7: {  	vm14 =	vgt.f32 v11, v1;
	v2 =	vadd.f32 v2, v3  }
0xa8: {  	v1 =	vsel vm14, v11, v1;
	v3 =	vpop (erf)  }
0xa9: {  	v1 =	vsel vm0, v14, v1;
	v2 =	vadd.f32 v2, v3  }
0xaa: {  	vm7 =	vmand vm7, vm8;
	v1 =	vsub.f32 v1, v15;
	v3 =	vpop (erf)  }
0xab: {  	v2 =	vadd.f32 v2, v3;
	v3 =	vsel vm7, $0x1, v0  }
0xac: {  	v62 =	vsel vm4, $0x1, v0;
	v1 =	vmul.f32 $1.442695020e+00, v1;
	v61 =	vpop (erf);
	v3 =	vsel vm9, $0x2, v3  }
0xad: {  	v2 =	vadd.f32 v2, v61;
	v3 =	vsel vm3, v62, v3  }
0xae: {  	(erf) = vpow2.f32 v1;
	v1 =	vsel vm3, $0x2, v62;
	v3 =	vsel vm10, $0x3, v3  }
0xaf: {  	(erf) = vrcp.f32 v2;
	v2 =	vsel vm1, v1, v3  }
0xb0: {  	v1 =	vsel vm1, $0x3, v1;
	v2 =	vsel vm11, $0x4, v2  }
0xb1: {  	v2 =	vsel vm5, v1, v2  }
0xb2: {  	v1 =	vsel vm5, $0x4, v1;
	v2 =	vsel vm12, $0x5, v2  }
0xb3: {  	v2 =	vsel vm6, v1, v2;
	v1 =	vsel vm6, $0x5, v1  }
0xb4: {  	v2 =	vsel vm13, $0x6, v2;
	v3 =	vsel vm2, $0x6, v1  }
0xb5: {  	s11 =	sadd.s32 $0x20, s11;
	v1 =	vsel vm2, v1, v2;
	v2 =	vsel vm0, $0x7, v3  }
0xb6: {  	s11 =	sand.u32 $0x700, s11  }
0xb7: {  	s11 =	sor.u32 s31, s11;
	v63 =	vpop (erf);
	v1 =	vsel vm14, $0x7, v1  }
0xb8: {  	[tilespmem:s11+$0x1800] =	vst v2;
	v1 =	vsel vm0, v3, v1;
	v2 =	vpop (erf)  }
0xb9: {  	[tilespmem:s11+$0x1880] =	vst v1;
	v1 =	vmul.f32 v2, v63  }
0xba: {  	[tilespmem:s11+$0x1E00] =	vst v2  }
0xbb: {  	[tilespmem:s11+$0x1E80] =	vst v1  }
0xbc: {  	[hbm4b:s4+s2] =	stream.linear.scatter [tilespmem:s8], [sflag:$0x1], $0x600, $0x38;
	[tilespmem:$0x2400] =	vst v63  }
0xbd: {  	s10 =	sadd.s32 $0x1, s10;
	_ =	swait.ge [sflag:s7], $0x600  }
0xbe: {  	p0 =	sne.s32 s10, s6;
	[sflag:s7] =	ssyncset.done $0x0  }
.Ltmp1:
0xbf: {  	[sflag:s7] =	ssyncadd.s32 $0xFFFFFA00;
	(pc) =	sbr.rel @p0 .LBB2_1-.Ltmp1, $4  }
0xc0: {  	[hbm4b:s5+s2] =	stream.linear.scatter [tilespmem:s9], [sflag:$0x1], $0x600, $0x38;
	[tilespmem:$0x2400] =	vst v63  }
0xc1: {  	_ =	swait.ge [sflag:s7], $0x600  }
0xc2: {  	[sflag:s7] =	ssyncset.done $0x0  }
0xc3: {  	[sflag:s7] =	ssyncadd.s32 $0xFFFFFA00  }
0xc4: {  	_ =	sfence.sel $0x180000  }
0xc5: {  	[bflag:$0x0] =	sbarrier.arrive $0xFFFF  }
0xc6: {  	p0 =	sne.s32 s0, $0x0;
	_ =	strace $0x90000047  }
0xc7: {  	s0 =	sadd.s32 @!p0 $0x100000, s1;
	[bflag:$0x2] =	sbarrier.arrive $0xFFFF  }
0xc8: {  	[sflag:s0] =	ssyncadd.tile.s32 @!p0 $0x1;
	_ =	shalt  }
.Lfunc_end2:
_tile_overlayer_lowered:
.L_overlay_start_2:
0xc9: {  	(tag) =	ssettag $0x2  }
0xca: {  	s0 =	rddreg [dreg:$0x0];
	s2 =	stileid.u32  }
0xcb: {  	s1 =	rddreg [dreg:$0x1];
	p0 =	sne.s32 s2, $0x0  }
0xcc: {  	s3 =	rddreg [dreg:$0x2];
	[bflag:$0x3] =	sbarrier.arrive $0xFFFF;
	s2 =	simm.s32 @!p0 $0x1C01  }
0xcd: {  	[timem:s3], [sflag:s2] =	dma.local @!p0 [hbm:s0], s1  }
0xce: {  	s0 =	simm.s32 @!p0 $0x1  }
0xcf: {  	_ =	swait.ge @!p0 [sflag:s0], s1  }
0xd0: {  	s1 =	ssub.s32 @!p0 $0x0, s1;
	[sflag:s0] =	ssyncset.done @!p0 $0x0  }
0xd1: {  	[sflag:s0] =	ssyncadd.s32 @!p0 s1  }
0xd2: {  	[bflag:$0x3] =	sbarrier.arrive $0xFFFF  }
0xd3: {  	_ =	shalt  }

// kernel: kernel.9.cloned.1.call-start
scs
__scs_entry_jumppad:
0x0: {  	(pc) =	sbr.rel $0x88, $3  }
0x1: {  	(tag) =	ssettag $0x0;
	lr =	simm.s32 $0x1  }
0x2: {  	[smem:$0x3F9E] =	sst lr;
	_ =	strace $0xD0000000  }
0x3: {  	_ = 	snop  }
0x4: {  	_ = 	snop  }
0x5: {  	_ = 	snop  }
0x6: {  	_ = 	snop  }
0x7: {  	_ = 	snop  }
__scs_overlays_trampoline_lowered:
0x8: {  	[smem:$0x3FAD] =	sst s0  }
0x9: {  	[smem:$0x3FAE] =	sst s1  }
0xa: {  	[smem:$0x3FAF] =	sst s2  }
0xb: {  	[smem:$0x3FB0] =	sst s3  }
0xc: {  	[smem:$0x3FB1] =	sst s4  }
0xd: {  	[smem:$0x3FB2] =	sst s5  }
0xe: {  	[smem:$0x3FB3] =	sst s6  }
0xf: {  	[smem:$0x3FB4] =	sst s7  }
0x10: {  	[smem:$0x3FB5] =	sst s8  }
0x11: {  	[smem:$0x3FB6] =	sst s9;
	s0 =	simm.s32 @!p0 $0x0  }
0x12: {  	s1 =	sld [smem:$0x3F9C];
	s0 =	simm.s32 @p0 $0x1  }
0x13: {  	[smem:$0x3FB7] =	sst s0;
	s0 =	simm.s32 @!p1 $0x0  }
0x14: {  	s2 =	sld [smem:$0x3F9B];
	s0 =	simm.s32 @p1 $0x1  }
0x15: {  	[smem:$0x3FB8] =	sst s0;
	s0 =	simm.s32 @!p2 $0x0  }
0x16: {  	s3 =	sld [smem:$0x3FDB];
	s0 =	simm.s32 @p2 $0x1  }
0x17: {  	s4 =	simm.s32 $0x1BF5;
	[smem:$0x3FBA] =	sst s0  }
0x18: {  	s0 =	sld [smem:$0x3F9D];
	_ =	swait.ge [sflag:s4], $0x0  }
0x19: {  	s7 =	sld [smem:$0x3F9E]  }
0x1a: {  	s8 =	sadd.s32 $0xFFFFE003, lr  }
0x1b: {  	s9 =	sadd.s32 $0xFFFFFEF7, lr;
	s5 =	simm.s32 $0xFFFFFFFF;
	p2 =	slt.u32 s8, $0xFFFFF086  }
0x1c: {  	p1 =	slt.u32 s9, $0xF7A;
	s5 =	simm.s32 @!p2 $0x0  }
0x1d: {  	s5 =	simm.s32 @p1 $0x1;
	p0 =	seq.s32 s7, s2  }
0x1e: {  	s7 =	smul.u32 @!p0 $0xF7A, s2;
	p2 =	seq.s32 @!p0 s5, $0x0  }
0x1f: {  	s9 =	smul.u32 $0xF7A, s1;
	s8 =	simm.s32 @!p0 $0x1BF5;
	p2 =	por !p2, p0  }
0x20: {  	[sflag:s8] =	ssyncset.s32 @!p0 $0xFFFFF086;
	s6 =	sadd.s32 @!p0 s3, s7;
	s7 =	simm.s32 @!p0 $0x108  }
0x21: {  	s3 =	sadd.s32 s3, s9;
	s6 =	sadd.s32 @!p0 $0x88, s6;
	s7 =	simm.s32 @p2 $0x1082  }
0x22: {  	[simem:s7], [sflag:s8] =	dma.local @!p0 [hbm:s6], $0xF7A  }
0x23: {  	s9 =	sor.u32 $0xD0000000, s2;
	s6 =	simm.s32 $0x108;
	_ =	swait.ge @!p0 [sflag:s8], $0x0  }
0x24: {  	s3 =	sadd.s32 $0x88, s3;
	s6 =	simm.s32 @!p1 $0x1082;
	[sflag:s4] =	ssyncset.s32 $0xFFFFF086  }
0x25: {  	[simem:s6], [sflag:s4] =	dma.local [hbm:s3], $0xF7A  }
0x26: {  	[smem:$0x3F9E] =	sst s1;
	(tag) =	ssettag s2;
	_ =	strace s9  }
0x27: {  	s1 =	sld [smem:$0x3FAE]  }
0x28: {  	s2 =	sld [smem:$0x3FAF]  }
0x29: {  	s4 =	sld [smem:$0x3FB1]  }
0x2a: {  	p0 =	seq.s32 s5, $0x0;
	s5 =	sld [smem:$0x3FB2]  }
0x2b: {  	s6 =	sld [smem:$0x3FB3]  }
0x2c: {  	s7 =	sld [smem:$0x3FB4]  }
0x2d: {  	s3 =	simm.s32 $0x108;
	s8 =	sld [smem:$0x3FB5]  }
0x2e: {  	s3 =	simm.s32 @!p0 $0x1082;
	s9 =	sld [smem:$0x3FB6]  }
0x2f: {  	lr =	sadd.s32 s0, s3;
	s0 =	sld [smem:$0x3FAD]  }
0x30: {  	s3 =	sld [smem:$0x3FB0]  }
0x31: {  	[smem:$0x3FB9] =	sst s10  }
0x32: {  	s10 =	sld [smem:$0x3FB7];
	_ =	sdelay $0x3  }
0x33: {  	p0 =	seq.s32 s10, $0x1;
	s10 =	sld [smem:$0x3FB9];
	_ =	sdelay $0x3  }
0x34: {  	[smem:$0x3FB9] =	sst s10  }
0x35: {  	s10 =	sld [smem:$0x3FB8];
	_ =	sdelay $0x3  }
0x36: {  	p1 =	seq.s32 s10, $0x1;
	s10 =	sld [smem:$0x3FB9];
	_ =	sdelay $0x3  }
0x37: {  	[smem:$0x3FB9] =	sst s10  }
0x38: {  	s10 =	sld [smem:$0x3FBA]  }
0x39: {  	_ = 	snop;
	(pc) =	sbr.ind lr, $3  }
0x3a: {  	_ = 	snop  }
0x3b: {  	_ = 	snop  }
0x3c: {  	p2 =	seq.s32 s10, $0x1;
	s10 =	sld [smem:$0x3FB9]  }
0x3d: {  	_ =	shalt  }
0x3e: {  	_ =	shalt  }
0x3f: {  	_ =	shalt  }
0x40: {  	_ =	shalt  }
0x41: {  	_ =	shalt  }
0x42: {  	_ =	shalt  }
0x43: {  	_ =	shalt  }
0x44: {  	_ =	shalt  }
0x45: {  	_ =	shalt  }
0x46: {  	_ =	shalt  }
0x47: {  	_ =	shalt  }
0x48: {  	_ =	shalt  }
0x49: {  	_ =	shalt  }
0x4a: {  	_ =	shalt  }
0x4b: {  	_ =	shalt  }
0x4c: {  	_ =	shalt  }
0x4d: {  	_ =	shalt  }
0x4e: {  	_ =	shalt  }
0x4f: {  	_ =	shalt  }
0x50: {  	_ =	shalt  }
0x51: {  	_ =	shalt  }
0x52: {  	_ =	shalt  }
0x53: {  	_ =	shalt  }
0x54: {  	_ =	shalt  }
0x55: {  	_ =	shalt  }
0x56: {  	_ =	shalt  }
0x57: {  	_ =	shalt  }
0x58: {  	_ =	shalt  }
0x59: {  	_ =	shalt  }
0x5a: {  	_ =	shalt  }
0x5b: {  	_ =	shalt  }
0x5c: {  	_ =	shalt  }
0x5d: {  	_ =	shalt  }
0x5e: {  	_ =	shalt  }
0x5f: {  	_ =	shalt  }
0x60: {  	_ =	shalt  }
0x61: {  	_ =	shalt  }
0x62: {  	_ =	shalt  }
0x63: {  	_ =	shalt  }
0x64: {  	_ =	shalt  }
0x65: {  	_ =	shalt  }
0x66: {  	_ =	shalt  }
0x67: {  	_ =	shalt  }
0x68: {  	_ =	shalt  }
0x69: {  	_ =	shalt  }
0x6a: {  	_ =	shalt  }
0x6b: {  	_ =	shalt  }
0x6c: {  	_ =	shalt  }
0x6d: {  	_ =	shalt  }
0x6e: {  	_ =	shalt  }
0x6f: {  	_ =	shalt  }
0x70: {  	_ =	shalt  }
0x71: {  	_ =	shalt  }
0x72: {  	_ =	shalt  }
0x73: {  	_ =	shalt  }
0x74: {  	_ =	shalt  }
0x75: {  	_ =	shalt  }
0x76: {  	_ =	shalt  }
0x77: {  	_ =	shalt  }
0x78: {  	_ =	shalt  }
0x79: {  	_ =	shalt  }
0x7a: {  	_ =	shalt  }
0x7b: {  	_ =	shalt  }
0x7c: {  	_ =	shalt  }
0x7d: {  	_ =	shalt  }
0x7e: {  	_ =	shalt  }
0x7f: {  	_ =	shalt  }
0x80: {  	_ =	shalt  }
0x81: {  	_ =	shalt  }
0x82: {  	_ =	shalt  }
0x83: {  	_ =	shalt  }
0x84: {  	_ =	shalt  }
0x85: {  	_ =	shalt  }
0x86: {  	_ =	shalt  }
0x87: {  	_ =	shalt  }
.Lfunc_end0:
.L_simem_size_0:
called_computation.1_lowered:
.L_overlay_start_0:
0x88: {  	s2 =	sld [smem:$0x3FD9]  }
0x89: {  	s3 =	sld [smem:$0x3FFE];
	_ =	sdelay $0x1  }
0x8a: {  	s1 =	srdreg.scid  }
0x8b: {  	s0 =	sand.u32 $0x1, s1  }
0x8c: {  	s15 =	sshll.u32 s0, $0xA;
	s2 =	sadd.s32 s3, s2  }
0x8d: {  	s2 =	sadd.s32 s2, s15  }
0x8e: {  	[smem:$0x3FC5] =	sst s2  }
0x8f: {  	_ = 	snop  }
0x90: {  	s2 =	sld [smem:$0x3FD0];
	_ =	sdelay $0x2  }
0x91: {  	s16 =	simm.s32 $0xB;
	s4 =	simm.s32 $0x10  }
0x92: {  	[smem:s4], [sflag:s16] =	dma.local [hbm:s2], $0x1  }
0x93: {  	_ =	swait.eq [sflag:s16], $0x1  }
0x94: {  	[sflag:s16] =	ssyncset.done $0x0  }
0x95: {  	[sflag:s16] =	ssyncadd.s32 $0xFFFFFFFF  }
0x96: {  	s17 =	sld [smem:$0x11];
	(tm) =	ssettm $0x1  }
0x97: {  	s18 =	sld [smem:$0x3FFB];
	_ =	sdelay $0x3  }
0x98: {  	_ =	strace s18  }
0x99: {  	s2 =	sld [smem:$0x3FFC];
	_ =	sdelay $0x3  }
0x9a: {  	_ =	strace s2  }
0x9b: {  	s2 =	sld [smem:$0x3FFD];
	_ =	sdelay $0x3  }
0x9c: {  	_ =	strace s2  }
0x9d: {  	_ =	strace $0x8FFFFFFF  }
0x9e: {  	s19 =	sld [smem:$0x3FDB];
	_ =	sdelay $0x1  }
0x9f: {  	s20 =	simm.s32 $_scs_section_size  }
0xa0: {  	s5 =	simm.s32 $_size__tile_overlayer_lowered;
	s6 =	simm.s32 $_tile_overlayer_lowered  }
0xa1: {  	s7 =	simm.s32 $0x1BFF;
	s21 =	sshll.u32 s6, $0x1;
	s4 =	sadd.s32 s20, s19  }
0xa2: {  	s22 =	simm.s32 $0x0;
	s5 =	sshll.u32 s5, $0x1;
	s6 =	sadd.s32 s21, s4  }
0xa3: {  	[timem:s22], [sflag:s7] =	dma.local [hbm:s6], s5  }
0xa4: {  	_ =	swait.ge [sflag:s7], s5  }
0xa5: {  	s5 =	ssub.s32 $0x0, s5;
	[sflag:s7] =	ssyncset.done $0x0  }
0xa6: {  	[sflag:s7] =	ssyncadd.s32 s5;
	_ =	sdelay $0x1  }
0xa7: {  	s23 =	simm.s32 $0x1B8B  }
0xa8: {  	_ =	swait.ge [sflag:s23], $0x1  }
0xa9: {  	[sflag:s23] =	ssyncset.done $0x0  }
0xaa: {  	[sflag:s23] =	ssyncadd.s32 $0xFFFFFFFF  }
0xab: {  	s5 =	sld [smem:$0x0]  }
0xac: {  	s6 =	sand.u32 $0xFFFFFFFE, s1  }
0xad: {  	p0 =	sne.s32 s1, s6  }
0xae: {  	s6 =	sshll.u32 @p0 s6, $0xE  }
0xaf: {  	s6 =	sadd.s32 @p0 $0x11B8D, s6;
	s7 =	sshll.u32 @p0 s5, $0x11  }
0xb0: {  	s6 =	sor.u32 @p0 s7, s6  }
0xb1: {  	[sflag:s6] =	ssyncadd.remote.s32 @p0 $0x1;
	_ =	sdelay $0x1  }
0xb2: {  	s6 =	simm.s32 @p0 $0x1B8D  }
0xb3: {  	_ =	swait.eq @p0 [sflag:s6], $0x1  }
0xb4: {  	[sflag:s6] =	ssyncadd.s32 @p0 $0xFFFFFFFF  }
0xb5: {  	s7 =	sshll.u32 @!p0 s1, $0xE  }
0xb6: {  	s7 =	sor.u32 @!p0 $0x4000, s7;
	s6 =	simm.s32 @!p0 $0x1B8D  }
0xb7: {  	s5 =	sshll.u32 @!p0 s5, $0x11;
	s7 =	sadd.s32 @!p0 $0x11B8D, s7;
	_ =	swait.eq @!p0 [sflag:s6], $0x1  }
0xb8: {  	s5 =	sor.u32 @!p0 s5, s7;
	[sflag:s6] =	ssyncadd.s32 @!p0 $0xFFFFFFFF  }
0xb9: {  	s25 =	simm.s32 $0x1B8E;
	s24 =	sld [smem:$0x3FFE];
	[sflag:s5] =	ssyncadd.remote.s32 @!p0 $0x1  }
0xba: {  	s26 =	simm.s32 $execute0_lowered;
	[smem:$0x3FD2] =	sst s25  }
0xbb: {  	s6 =	sshll.u32 s26, $0x1;
	_ =	strace $0x80000049;
	[dreg:$0x1] =	wrdreg $0xFFFFFFFF  }
0xbc: {  	s28 =	simm.s32 $_size_execute0_lowered;
	s4 =	sadd.s32 s4, s6;
	[dreg:$0x0] =	wrdreg $0x0  }
0xbd: {  	s6 =	sshll.u32 s28, $0x1;
	[dreg:$0x2] =	wrdreg s4  }
0xbe: {  	[dreg:$0x3] =	wrdreg s6  }
0xbf: {  	[dreg:$0x4] =	wrdreg $0xC0  }
0xc0: {  	_ =	task [dreg:s22], $0x5FFFF  }
0xc1: {  	[dreg:$0x1] =	wrdreg $0xFFFFFFFF  }
0xc2: {  	[dreg:$0x0] =	wrdreg $0x60  }
0xc3: {  	[dreg:$0x2] =	wrdreg s17  }
0xc4: {  	[dreg:$0x3] =	wrdreg s24  }
0xc5: {  	[dreg:$0x4] =	wrdreg $0xA  }
0xc6: {  	_ =	task.clear_ibuf [dreg:s22], $0x5FFFF;
	_ =	strace $0x90000049  }
0xc7: {  	s29 =	simm.s32 $0xA;
	_ =	strace $0x8000004B  }
0xc8: {  	_ =	swait.ge [sflag:s29], $0x1  }
0xc9: {  	[sflag:s29] =	ssyncadd.s32 $0xFFFFFFFF  }
0xca: {  	_ =	strace $0x9000004B  }
0xcb: {  	_ =	sfence  }
0xcc: {  	s30 =	sld [smem:$0x0];
	_ =	sdelay $0x2  }
0xcd: {  	s31 =	sshll.u32 s1, $0xD;
	s1 =	sshrl.u32 s1, $0x2  }
0xce: {  	s4 =	sand.u32 $0x4000, s31;
	s1 =	sadd.s32 s1, s30  }
0xcf: {  	s0 =	sor.u32 s4, s0;
	s1 =	sshll.u32 s1, $0x11  }
0xd0: {  	s0 =	sor.u32 s1, s0  }
0xd1: {  	s0 =	sadd.s32 $0x8F2B, s0  }
0xd2: {  	[sflag:s0] =	ssyncadd.remote.s32 $0x1  }
0xd3: {  	_ =	sfence.sel $0xFFFF  }
0xd4: {  	[dreg:$0x0] =	wrdreg $0xFFFFFFFF;
	(pc) =	sbr.abs _section_cstart, $3  }
0xd5: {  	[dreg:$0x1] =	wrdreg $0xFFFFFFFF  }
0xd6: {  	_ =	task.clear_ibuf [dreg:s22], $0x2FFFF;
	_ =	strace $0x9FFFFFFF  }
0xd7: {  	(tm) =	ssettm $0x7FFFFFFF  }
tec
execute0_lowered:
.L_overlay_start_1:
0x0: {  	(tag) =	ssettag $0x1  }
0x1: {  	s3 =	rddreg [dreg:$0x0]  }
0x2: {  	s4 =	rddreg [dreg:$0x1]  }
0x3: {  	s0 =	rddreg [dreg:$0x2];
	s5 =	srdreg.scid  }
0x4: {  	s1 =	stileid.u32;
	s2 =	simm.s32 $0x0;
	s9 =	simm.s32 $0xA00  }
0x5: {  	s10 =	simm.s32 $0x0;
	s5 =	sand.u32 $0x1, s5;
	s6 =	sshll.u32 s1, $0x1  }
0x6: {  	[smem:$0x7FF] =	sst s2;
	s6 =	sor.u32 s5, s6;
	s5 =	ssub.s32 $0x2, s5  }
0x7: {  	_ =	strace $0x8000004A;
	s7 =	sshll.u32 s6, $0x6;
	s31 =	sshrl.u32 s5, $0x1  }
0x8: {  	s6 =	sshll.u32 s6, $0x8;
	s7 =	sadd.s32 s7, s4;
	s8 =	ssub.s32 s5, s31  }
0x9: {  	s3 =	sadd.s32 s3, s6;
	s4 =	sadd.s32 $0x9600, s7;
	s5 =	sadd.s32 $0x8E00, s7  }
0xa: {  	v0 =	vimm.s32 $0x0;
	s6 =	smax.u32 s8, $0x1;
	s7 =	simm.s32 $0x1;
	s8 =	simm.s32 $0x800  }
.LBB2_1:
0xb: {  	[tilespmem:s2], [sflag:$0x1] =	stream.linear.gather [hbm4b:s3+s2], $0x800, $0x38;
	[tilespmem:$0xC00] =	vst v63  }
0xc: {  	s12 =	sand.u32 $0x1000, s2;
	_ =	swait.ge [sflag:s7], $0x800  }
0xd: {  	s11 =	sand.u32 $0x70, s2;
	s12 =	sshrl.u32 s12, $0x2;
	[sflag:s7] =	ssyncset.done $0x0  }
0xe: {  	s12 =	sor.u32 s11, s12;
	[sflag:s7] =	ssyncadd.s32 $0xFFFFF800  }
0xf: {  	v1 =	vld [tilespmem:s12+$0x0]  }
0x10: {  	v2 =	vld [tilespmem:s12+$0x80];
	_ =	sdelay $0x2  }
0x11: {  	v3 =	vld [tilespmem:s12+$0x100];
	_ =	sdelay $0x1  }
0x12: {  	v4 =	vld [tilespmem:s12+$0x180];
	vm6 =	vgt.f32 v2, v1  }
0x13: {  	vm7 =	vmneg vm6  }
0x14: {  	v5 =	vld [tilespmem:s12+$0x200];
	v6 =	vsel vm7, v1, v2  }
0x15: {  	vm5 =	vgt.f32 v3, v6  }
0x16: {  	v7 =	vld [tilespmem:s12+$0x280];
	v8 =	vsel vm5, v3, v6  }
0x17: {  	vm3 =	vgt.f32 v4, v8  }
0x18: {  	s29 =	sor.u32 s2, s2;
	v9 =	vld [tilespmem:s12+$0x300];
	v10 =	vsel vm3, v4, v8  }
0x19: {  	s12 =	sor.u32 $0x380, s29;
	vm4 =	vgt.f32 v5, v10  }
0x1a: {  	v11 =	vld [tilespmem:s12+$0x0];
	v12 =	vsel vm4, v5, v10  }
0x1b: {  	vm0 =	vlt.f32 v2, $-Inf;
	vm2 =	vgt.f32 v2, $-Inf;
	vm1 =	vgt.f32 v7, v12  }
0x1c: {  	vm13 =	vmor vm2, vm0;
	v13 =	vsel vm1, v7, v12  }
0x1d: {  	v14 =	vnsel vm13, $0xFF800000, v2;
	vm2 =	vgt.f32 v9, v13  }
0x1e: {  	v14 =	vsel vm7, v14, v1;
	v15 =	vsel vm2, v9, v13  }
0x1f: {  	vm10 =	vgt.f32 v3, v14;
	vm0 =	vgt.f32 v11, v15  }
0x20: {  	v14 =	vsel vm10, v3, v14;
	v16 =	vsel vm0, v11, v15  }
0x21: {  	v6 =	vsel vm5, v6, v14;
	v1 =	vsub.f32 v1, v16  }
0x22: {  	vm8 =	vgt.f32 v4, v6  }
0x23: {  	v6 =	vsel vm8, v4, v6;
	v2 =	vsub.f32 v2, v16;
	v1 =	vmul.f32 $1.442695020e+00, v1  }
0x24: {  	v6 =	vsel vm3, v8, v6  }
0x25: {  	v2 =	vmul.f32 $1.442695020e+00, v2;
	(erf) = vpow2.f32 v1;
	v1 =	vsub.f32 v3, v16  }
0x26: {  	vm9 =	vgt.f32 v5, v6;
	v3 =	vsub.f32 v4, v16  }
0x27: {  	(erf) = vpow2.f32 v2;
	v2 =	vsel vm9, v5, v6;
	v1 =	vmul.f32 $1.442695020e+00, v1  }
0x28: {  	v52 =	vsub.f32 v5, v16;
	v2 =	vsel vm4, v10, v2  }
0x29: {  	vm11 =	vgt.f32 v7, v2;
	(erf) = vpow2.f32 v1;
	v1 =	vmul.f32 $1.442695020e+00, v3  }
0x2a: {  	v2 =	vsel vm11, v7, v2;
	v3 =	vmul.f32 $1.442695020e+00, v52  }
0x2b: {  	v2 =	vsel vm1, v12, v2;
	(erf) = vpow2.f32 v1;
	v1 =	vsub.f32 v7, v16  }
0x2c: {  	vm12 =	vgt.f32 v9, v2;
	(erf) = vpow2.f32 v3;
	v3 =	vsub.f32 v9, v16  }
0x2d: {  	v2 =	vsel vm12, v9, v2;
	v1 =	vmul.f32 $1.442695020e+00, v1  }
0x2e: {  	v53 =	vsub.f32 v11, v16;
	v2 =	vsel vm2, v13, v2;
	v3 =	vmul.f32 $1.442695020e+00, v3  }
0x2f: {  	vm13 =	vmand vm7, vm13;
	v54 =	vpop (erf);
	vm15 =	vgt.f32 v11, v2;
	(erf) = vpow2.f32 v1  }
0x30: {  	v4 =	vmul.f32 $1.442695020e+00, v53;
	v1 =	vsel vm13, $0x1, v0;
	v2 =	vsel vm15, v11, v2;
	v55 =	vpop (erf)  }
0x31: {  	v2 =	vsel vm0, v15, v2;
	v5 =	vadd.f32 v55, v54;
	(erf) = vpow2.f32 v3  }
0x32: {  	v56 =	vsel vm6, $0x1, v0;
	v1 =	vsel vm10, $0x2, v1;
	v2 =	vsub.f32 v2, v16;
	v3 =	vpop (erf)  }
0x33: {  	v1 =	vsel vm5, v56, v1;
	(erf) = vpow2.f32 v4;
	v3 =	vadd.f32 v5, v3  }
0x34: {  	v58 =	vsel vm5, $0x2, v56;
	v1 =	vsel vm8, $0x3, v1;
	v2 =	vmul.f32 $1.442695020e+00, v2;
	v57 =	vpop (erf)  }
0x35: {  	v1 =	vsel vm3, v58, v1;
	v3 =	vadd.f32 v3, v57  }
0x36: {  	v1 =	vsel vm9, $0x4, v1;
	v59 =	vpop (erf);
	(erf) = vpow2.f32 v2;
	v2 =	vsel vm3, $0x3, v58  }
0x37: {  	v1 =	vsel vm4, v2, v1;
	v3 =	vadd.f32 v3, v59  }
0x38: {  	v2 =	vsel vm4, $0x4, v2;
	v1 =	vsel vm11, $0x5, v1;
	v60 =	vpop (erf)  }
0x39: {  	v1 =	vsel vm1, v2, v1;
	v2 =	vsel vm1, $0x5, v2;
	v3 =	vadd.f32 v3, v60  }
0x3a: {  	v61 =	vpop (erf)  }
0x3b: {  	v1 =	vsel vm12, $0x6, v1;
	v3 =	vadd.f32 v3, v61  }
0x3c: {  	v62 =	vsel vm2, $0x6, v2;
	v1 =	vsel vm2, v2, v1;
	v2 =	vpop (erf)  }
0x3d: {  	v2 =	vadd.f32 v3, v2;
	_ =	sdelay $0x1  }
0x3e: {  	(erf) = vrcp.f32 v2;
	_ =	sdelay $0x2  }
0x3f: {  	v1 =	vsel vm15, $0x7, v1  }
0x40: {  	s30 =	sand.u32 $0x100, s2;
	v1 =	vsel vm0, v62, v1  }
0x41: {  	s17 =	sor.u32 s11, s30;
	s31 =	sor.u32 s30, s2;
	v63 =	vsel vm0, $0x7, v62  }
0x42: {  	s14 =	simm.s32 $0x200;
	s16 =	simm.s32 $0x400;
	s18 =	sor.u32 $0x80, s31;
	[tilespmem:s17+$0x800] =	vst v63  }
0x43: {  	s13 =	simm.s32 $0x80;
	s11 =	simm.s32 $0x10;
	s12 =	simm.s32 $0x0;
	[tilespmem:s18+$0x800] =	vst v1;
	v1 =	vpop (erf)  }
.LBB2_2:
0x44: {  	s19 =	sand.u32 $0x1000, s14  }
0x45: {  	s12 =	sadd.s32 $0x20, s12;
	v2 =	vpop (erf);
	s14 =	smov.u32 s16;
	s15 =	sadd.s32 $0x200, s16  }
0x46: {  	p0 =	sne.s32 s16, $0x1E00;
	s16 =	sand.u32 $0x70, s11;
	s19 =	sshrl.u32 s19, $0x2;
	[tilespmem:s17+$0xA00] =	vst v2;
	v1 =	vmul.f32 v2, v1  }
0x47: {  	s17 =	sor.u32 s16, s19  }
0x48: {  	[tilespmem:s18+$0xA00] =	vst v1  }
0x49: {  	v1 =	vld [tilespmem:s17+$0x0]  }
0x4a: {  	v2 =	vld [tilespmem:s17+$0x80];
	_ =	sdelay $0x2  }
0x4b: {  	v3 =	vld [tilespmem:s17+$0x100];
	_ =	sdelay $0x1  }
0x4c: {  	v4 =	vld [tilespmem:s17+$0x180];
	vm0 =	vgt.f32 v2, v1;
	vm1 =	vlt.f32 v2, $-Inf;
	vm2 =	vgt.f32 v2, $-Inf  }
0x4d: {  	vm3 =	vmneg vm0;
	vm1 =	vmor vm2, vm1  }
0x4e: {  	v5 =	vld [tilespmem:s17+$0x200];
	v6 =	vnsel vm1, $0xFF800000, v2;
	vm1 =	vmand vm3, vm1;
	v7 =	vsel vm3, v1, v2  }
0x4f: {  	v6 =	vsel vm3, v6, v1;
	vm3 =	vgt.f32 v3, v7  }
0x50: {  	v9 =	vsel vm1, $0x1, v0;
	v8 =	vld [tilespmem:s17+$0x280];
	vm1 =	vgt.f32 v3, v6;
	v10 =	vsel vm3, v3, v7  }
0x51: {  	v6 =	vsel vm1, v3, v6;
	v9 =	vsel vm1, $0x2, v9;
	vm4 =	vgt.f32 v4, v10  }
0x52: {  	v12 =	vsel vm0, $0x1, v0;
	v11 =	vld [tilespmem:s17+$0x300];
	s17 =	sor.u32 s13, s11;
	v6 =	vsel vm3, v7, v6;
	v7 =	vsel vm4, v4, v10  }
0x53: {  	v13 =	vsel vm3, $0x2, v12;
	s17 =	sor.u32 $0x380, s17;
	vm0 =	vgt.f32 v4, v6;
	vm5 =	vgt.f32 v5, v7  }
0x54: {  	v15 =	vsel vm4, $0x3, v13;
	v14 =	vld [tilespmem:s17+$0x0];
	v6 =	vsel vm0, v4, v6;
	v16 =	vsel vm5, v5, v7  }
0x55: {  	v6 =	vsel vm4, v10, v6;
	v10 =	vsel vm5, $0x4, v15;
	vm2 =	vgt.f32 v8, v16  }
0x56: {  	v9 =	vsel vm3, v12, v9;
	vm3 =	vgt.f32 v5, v6;
	v12 =	vsel vm2, v8, v16  }
0x57: {  	v9 =	vsel vm0, $0x3, v9;
	v6 =	vsel vm3, v5, v6;
	vm1 =	vgt.f32 v11, v12  }
0x58: {  	v9 =	vsel vm4, v13, v9;
	v6 =	vsel vm5, v7, v6;
	v7 =	vsel vm1, v11, v12  }
0x59: {  	v9 =	vsel vm3, $0x4, v9;
	vm3 =	vgt.f32 v8, v6;
	vm0 =	vgt.f32 v14, v7  }
0x5a: {  	v9 =	vsel vm5, v15, v9;
	v6 =	vsel vm3, v8, v6;
	v13 =	vsel vm0, v14, v7  }
0x5b: {  	v9 =	vsel vm3, $0x5, v9;
	v1 =	vsub.f32 v1, v13;
	v4 =	vsub.f32 v4, v13  }
0x5c: {  	v9 =	vsel vm2, v10, v9;
	v2 =	vsub.f32 v2, v13;
	v3 =	vsub.f32 v3, v13  }
0x5d: {  	v6 =	vsel vm2, v16, v6;
	v1 =	vmul.f32 $1.442695020e+00, v1;
	v4 =	vmul.f32 $1.442695020e+00, v4  }
0x5e: {  	v8 =	vsub.f32 v8, v13;
	v2 =	vmul.f32 $1.442695020e+00, v2;
	v3 =	vmul.f32 $1.442695020e+00, v3  }
0x5f: {  	v5 =	vsub.f32 v5, v13;
	v15 =	vsub.f32 v11, v13;
	(erf) = vpow2.f32 v1  }
0x60: {  	v1 =	vmul.f32 $1.442695020e+00, v8;
	v8 =	vsub.f32 v14, v13;
	(erf) = vpow2.f32 v2  }
0x61: {  	v5 =	vmul.f32 $1.442695020e+00, v5;
	v2 =	vsel vm2, $0x5, v10;
	vm2 =	vgt.f32 v11, v6  }
0x62: {  	v10 =	vmul.f32 $1.442695020e+00, v15;
	v6 =	vsel vm2, v11, v6;
	(erf) = vpow2.f32 v3  }
0x63: {  	v8 =	vmul.f32 $1.442695020e+00, v8;
	v3 =	vsel vm1, v12, v6;
	v6 =	vsel vm2, $0x6, v9  }
0x64: {  	s18 =	sand.u32 $0x100, s12;
	v9 =	vsel vm1, $0x6, v2;
	vm2 =	vgt.f32 v14, v3;
	(erf) = vpow2.f32 v4  }
0x65: {  	s17 =	sor.u32 s16, s18;
	s16 =	sor.u32 s18, s11;
	v2 =	vsel vm1, v2, v6;
	v3 =	vsel vm2, v14, v3;
	v4 =	vsel vm0, $0x7, v9  }
0x66: {  	v6 =	vsel vm2, $0x7, v2;
	v3 =	vsel vm0, v7, v3;
	[tilespmem:s17+$0x800] =	vst v4;
	(erf) = vpow2.f32 v5  }
0x67: {  	s18 =	sor.u32 $0x80, s16;
	v4 =	vsel vm0, v9, v6;
	v5 =	vsub.f32 v3, v13  }
0x68: {  	[tilespmem:s18+$0x800] =	vst v4;
	v2 =	vpop (erf);
	(erf) = vpow2.f32 v1  }
0x69: {  	v1 =	vmul.f32 $1.442695020e+00, v5;
	v3 =	vpop (erf)  }
0x6a: {  	v2 =	vadd.f32 v3, v2;
	(erf) = vpow2.f32 v10  }
0x6b: {  	v3 =	vpop (erf)  }
0x6c: {  	v2 =	vadd.f32 v2, v3;
	(erf) = vpow2.f32 v8  }
0x6d: {  	v3 =	vpop (erf)  }
0x6e: {  	v2 =	vadd.f32 v2, v3  }
0x6f: {  	v3 =	vpop (erf)  }
0x70: {  	v2 =	vadd.f32 v2, v3  }
0x71: {  	v3 =	vpop (erf)  }
0x72: {  	v2 =	vadd.f32 v2, v3  }
0x73: {  	v3 =	vpop (erf)  }
0x74: {  	v2 =	vadd.f32 v2, v3  }
0x75: {  	v3 =	vpop (erf)  }
0x76: {  	v2 =	vadd.f32 v2, v3  }
0x77: {  	(erf) = vpow2.f32 v1  }
0x78: {  	(erf) = vrcp.f32 v2;
	_ =	sdelay $0x3  }
.Ltmp0:
0x79: {  	(pc) =	sbr.rel @p0 .LBB2_2-.Ltmp0, $2  }
0x7a: {  	_ =	sdelay $0x2  }
0x7b: {  	s13 =	sadd.s32 $0x80, s13;
	s11 =	sadd.s32 $0x10, s11;
	s16 =	smov.u32 s15;
	v1 =	vpop (erf)  }
0x7c: {  	v2 =	vpop (erf)  }
0x7d: {  	s15 =	sand.u32 $0x1000, s14;
	v1 =	vmul.f32 v2, v1  }
0x7e: {  	s29 =	sand.u32 $0x70, s11;
	s15 =	sshrl.u32 s15, $0x2;
	[tilespmem:s17+$0xA00] =	vst v2  }
0x7f: {  	s15 =	sor.u32 s29, s15;
	[tilespmem:s18+$0xA00] =	vst v1  }
0x80: {  	v1 =	vld [tilespmem:s15+$0x0]  }
0x81: {  	v2 =	vld [tilespmem:s15+$0x80];
	_ =	sdelay $0x2  }
0x82: {  	v3 =	vld [tilespmem:s15+$0x100];
	_ =	sdelay $0x1  }
0x83: {  	v4 =	vld [tilespmem:s15+$0x180];
	vm3 =	vgt.f32 v2, v1  }
0x84: {  	vm7 =	vmneg vm3  }
0x85: {  	v5 =	vld [tilespmem:s15+$0x200];
	v6 =	vsel vm7, v1, v2  }
0x86: {  	vm4 =	vgt.f32 v3, v6  }
0x87: {  	v7 =	vld [tilespmem:s15+$0x280];
	v8 =	vsel vm4, v3, v6  }
0x88: {  	vm2 =	vgt.f32 v4, v8  }
0x89: {  	s13 =	sor.u32 s13, s11;
	v9 =	vld [tilespmem:s15+$0x300];
	v10 =	vsel vm2, v4, v8  }
0x8a: {  	s13 =	sor.u32 $0x380, s13;
	vm6 =	vgt.f32 v5, v10  }
0x8b: {  	v11 =	vld [tilespmem:s13+$0x0];
	v12 =	vsel vm6, v5, v10  }
0x8c: {  	vm5 =	vgt.f32 v7, v12  }
0x8d: {  	v13 =	vsel vm5, v7, v12  }
0x8e: {  	vm1 =	vgt.f32 v9, v13  }
0x8f: {  	v14 =	vsel vm1, v9, v13  }
0x90: {  	vm8 =	vlt.f32 v2, $-Inf;
	vm9 =	vgt.f32 v2, $-Inf;
	vm0 =	vgt.f32 v11, v14  }
0x91: {  	vm8 =	vmor vm9, vm8;
	v15 =	vsel vm0, v11, v14  }
0x92: {  	v17 =	vnsel vm8, $0xFF800000, v2;
	v16 =	vsub.f32 v1, v15  }
0x93: {  	v2 =	vsub.f32 v2, v15;
	v1 =	vsel vm7, v17, v1  }
0x94: {  	vm9 =	vgt.f32 v3, v1;
	v16 =	vmul.f32 $1.442695020e+00, v16  }
0x95: {  	v2 =	vmul.f32 $1.442695020e+00, v2;
	v1 =	vsel vm9, v3, v1;
	v3 =	vsub.f32 v3, v15  }
0x96: {  	(erf) = vpow2.f32 v16  }
0x97: {  	v3 =	vmul.f32 $1.442695020e+00, v3;
	(erf) = vpow2.f32 v2  }
0x98: {  	v2 =	vsub.f32 v4, v15  }
0x99: {  	v57 =	vsub.f32 v5, v15;
	v1 =	vsel vm4, v6, v1;
	(erf) = vpow2.f32 v3  }
0x9a: {  	vm10 =	vgt.f32 v4, v1;
	v3 =	vsub.f32 v7, v15;
	v2 =	vmul.f32 $1.442695020e+00, v2  }
0x9b: {  	v1 =	vsel vm10, v4, v1;
	v4 =	vmul.f32 $1.442695020e+00, v57  }
0x9c: {  	v3 =	vmul.f32 $1.442695020e+00, v3;
	(erf) = vpow2.f32 v2  }
0x9d: {  	v1 =	vsel vm2, v8, v1;
	v2 =	vsub.f32 v9, v15  }
0x9e: {  	vm11 =	vgt.f32 v5, v1;
	(erf) = vpow2.f32 v4  }
0x9f: {  	v59 =	vsub.f32 v11, v15;
	v1 =	vsel vm11, v5, v1;
	v2 =	vmul.f32 $1.442695020e+00, v2;
	v58 =	vpop (erf)  }
0xa0: {  	v1 =	vsel vm6, v10, v1;
	(erf) = vpow2.f32 v3;
	v3 =	vpop (erf)  }
0xa1: {  	(erf) = vpow2.f32 v2;
	v2 =	vmul.f32 $1.442695020e+00, v59;
	v3 =	vadd.f32 v3, v58  }
0xa2: {  	vm12 =	vgt.f32 v7, v1;
	v60 =	vpop (erf)  }
0xa3: {  	v1 =	vsel vm12, v7, v1;
	v3 =	vadd.f32 v3, v60  }
0xa4: {  	v1 =	vsel vm5, v12, v1;
	(erf) = vpow2.f32 v2  }
0xa5: {  	vm14 =	vgt.f32 v9, v1;
	v2 =	vpop (erf)  }
0xa6: {  	v1 =	vsel vm14, v9, v1;
	v2 =	vadd.f32 v3, v2  }
0xa7: {  	v1 =	vsel vm1, v13, v1;
	v3 =	vpop (erf)  }
0xa8: {  	vm13 =	vgt.f32 v11, v1;
	v2 =	vadd.f32 v2, v3  }
0xa9: {  	v1 =	vsel vm13, v11, v1;
	v3 =	vpop (erf)  }
0xaa: {  	v1 =	vsel vm0, v14, v1;
	v2 =	vadd.f32 v2, v3  }
0xab: {  	vm7 =	vmand vm7, vm8;
	v1 =	vsub.f32 v1, v15;
	v3 =	vpop (erf)  }
0xac: {  	v2 =	vadd.f32 v2, v3;
	v3 =	vsel vm7, $0x1, v0  }
0xad: {  	v62 =	vsel vm3, $0x1, v0;
	v1 =	vmul.f32 $1.442695020e+00, v1;
	v61 =	vpop (erf);
	v3 =	vsel vm9, $0x2, v3  }
0xae: {  	v2 =	vadd.f32 v2, v61;
	v3 =	vsel vm4, v62, v3  }
0xaf: {  	(erf) = vpow2.f32 v1;
	v1 =	vsel vm4, $0x2, v62;
	v3 =	vsel vm10, $0x3, v3  }
0xb0: {  	(erf) = vrcp.f32 v2;
	v2 =	vsel vm2, v1, v3  }
0xb1: {  	v1 =	vsel vm2, $0x3, v1;
	v2 =	vsel vm11, $0x4, v2  }
0xb2: {  	v2 =	vsel vm6, v1, v2  }
0xb3: {  	v1 =	vsel vm6, $0x4, v1;
	v2 =	vsel vm12, $0x5, v2  }
0xb4: {  	v2 =	vsel vm5, v1, v2;
	v1 =	vsel vm5, $0x5, v1  }
0xb5: {  	v2 =	vsel vm14, $0x6, v2;
	v3 =	vsel vm1, $0x6, v1  }
0xb6: {  	s12 =	sadd.s32 $0x20, s12;
	v1 =	vsel vm1, v1, v2;
	v2 =	vsel vm0, $0x7, v3  }
0xb7: {  	s12 =	sand.u32 $0x100, s12  }
0xb8: {  	s30 =	sor.u32 s29, s12;
	s31 =	sor.u32 s12, s11;
	v63 =	vpop (erf);
	v1 =	vsel vm13, $0x7, v1  }
0xb9: {  	s11 =	sor.u32 $0x80, s31;
	[tilespmem:s30+$0x800] =	vst v2;
	v1 =	vsel vm0, v3, v1;
	v2 =	vpop (erf)  }
0xba: {  	[tilespmem:s11+$0x800] =	vst v1;
	v1 =	vmul.f32 v2, v63  }
0xbb: {  	[tilespmem:s30+$0xA00] =	vst v2  }
0xbc: {  	[tilespmem:s11+$0xA00] =	vst v1  }
0xbd: {  	[hbm4b:s4+s2] =	stream.linear.scatter [tilespmem:s8], [sflag:$0x1], $0x200, $0x38;
	[tilespmem:$0xC00] =	vst v63  }
0xbe: {  	s10 =	sadd.s32 $0x1, s10;
	_ =	swait.ge [sflag:s7], $0x200  }
0xbf: {  	p0 =	sne.s32 s10, s6;
	[sflag:s7] =	ssyncset.done $0x0  }
.Ltmp1:
0xc0: {  	[sflag:s7] =	ssyncadd.s32 $0xFFFFFE00;
	(pc) =	sbr.rel @p0 .LBB2_1-.Ltmp1, $4  }
0xc1: {  	[hbm4b:s5+s2] =	stream.linear.scatter [tilespmem:s9], [sflag:$0x1], $0x200, $0x38;
	[tilespmem:$0xC00] =	vst v63  }
0xc2: {  	_ =	swait.ge [sflag:s7], $0x200  }
0xc3: {  	[sflag:s7] =	ssyncset.done $0x0  }
0xc4: {  	[sflag:s7] =	ssyncadd.s32 $0xFFFFFE00  }
0xc5: {  	_ =	sfence.sel $0x180000  }
0xc6: {  	[bflag:$0x0] =	sbarrier.arrive $0xFFFF  }
0xc7: {  	p0 =	sne.s32 s1, $0x0;
	_ =	strace $0x9000004A  }
0xc8: {  	s0 =	sadd.s32 @!p0 $0x100000, s0;
	[bflag:$0x2] =	sbarrier.arrive $0xFFFF  }
0xc9: {  	[sflag:s0] =	ssyncadd.tile.s32 @!p0 $0x1;
	_ =	shalt  }
.Lfunc_end2:
_tile_overlayer_lowered:
.L_overlay_start_2:
0xca: {  	(tag) =	ssettag $0x2  }
0xcb: {  	s0 =	rddreg [dreg:$0x0];
	s2 =	stileid.u32  }
0xcc: {  	s1 =	rddreg [dreg:$0x1];
	p0 =	sne.s32 s2, $0x0  }
0xcd: {  	s3 =	rddreg [dreg:$0x2];
	[bflag:$0x3] =	sbarrier.arrive $0xFFFF;
	s2 =	simm.s32 @!p0 $0x1C01  }
0xce: {  	[timem:s3], [sflag:s2] =	dma.local @!p0 [hbm:s0], s1  }
0xcf: {  	s0 =	simm.s32 @!p0 $0x1  }
0xd0: {  	_ =	swait.ge @!p0 [sflag:s0], s1  }
0xd1: {  	s1 =	ssub.s32 @!p0 $0x0, s1;
	[sflag:s0] =	ssyncset.done @!p0 $0x0  }
0xd2: {  	[sflag:s0] =	ssyncadd.s32 @!p0 s1  }
0xd3: {  	[bflag:$0x3] =	sbarrier.arrive $0xFFFF  }
0xd4: {  	_ =	shalt  }

</sc_bundles>
